<compile_context>
chip_gen: v7x
topology: tpu7x:2x2x1
jax: 0.10.2.dev20260603
libtpu: 0.0.44.dev20260713+nightly
codegen_flags: <defaults>
</compile_context>

<pallas_src>
import functools

import numpy as np

import jax
import jax.numpy as jnp
from jax import lax
from jax.experimental import pallas as pl
from jax.experimental.pallas import tpu as pltpu
from jax.experimental.pallas import tpu_sc as plsc

_NUM_SAMPLES = 4
_EPS = 1e-8
_NW = 32
_L = 16

_NOP = 20480
_NQP = 1536
_NSP = 6144
_NVP = 10240
_MB = 512
_NCH = 2048
_FWD_STEPS = _NQP // _MB
_REV_STEPS = _NSP // _MB
_STEPS = _FWD_STEPS + _REV_STEPS




def _sc_body(nv_real, ovf_hbm, svf_hbm, of_hbm, sf_hbm, cf_hbm,
             ob_hbm, ovg_hbm, qb_hbm, sp_hbm,
             ovv, svv, ofv, sfv, cfv, obv, ovgv, qbv, spv):
    w = lax.axis_index("s") * 2 + lax.axis_index("c")

    pltpu.sync_copy(ovf_hbm, ovv)
    pltpu.sync_copy(svf_hbm, svv)
    pltpu.sync_copy(of_hbm.at[pl.ds(w * 1920, 1920)], ofv)
    pltpu.sync_copy(sf_hbm.at[pl.ds(w * 144, 144)], sfv)
    pltpu.sync_copy(cf_hbm.at[pl.ds(w * 576, 576)], cfv)

    ones = jnp.ones((_L,), jnp.float32)
    lane = lax.iota(jnp.int32, _L)

    def ob_loop(g, _):
        s = pl.ds(g * _L, _L)
        l = g * _L + lane
        v0 = plsc.load_gather(ofv, [l * 3])
        v1 = plsc.load_gather(ofv, [l * 3 + 1])
        v2 = plsc.load_gather(ofv, [l * 3 + 2])
        coords = []
        for c in range(3):
            gc = (plsc.load_gather(ovv, [v0 * 3 + c])
                  + plsc.load_gather(ovv, [v1 * 3 + c])
                  + plsc.load_gather(ovv, [v2 * 3 + c]))
            coords.append(gc / 3.0)
        nrm = coords[0] * coords[0] + coords[1] * coords[1] + coords[2] * coords[2]
        for c in range(3):
            obv[c, s] = coords[c]
        obv[3, s] = ones
        obv[4, s] = nrm
        return _

    def qb_loop(g, _):
        l = g * _L + lane
        v0 = plsc.load_gather(sfv, [l * 3])
        v1 = plsc.load_gather(sfv, [l * 3 + 1])
        v2 = plsc.load_gather(sfv, [l * 3 + 2])
        coords = []
        for c in range(3):
            gc = (plsc.load_gather(svv, [v0 * 3 + c])
                  + plsc.load_gather(svv, [v1 * 3 + c])
                  + plsc.load_gather(svv, [v2 * 3 + c]))
            coords.append(gc / 3.0)
        nrm = coords[0] * coords[0] + coords[1] * coords[1] + coords[2] * coords[2]
        s = pl.ds(g * _L, _L)
        vals = [-2.0 * coords[0], -2.0 * coords[1], -2.0 * coords[2], nrm, ones]
        for r in range(5):
            qbv[r, s] = vals[r]
        return _

    def sp_loop(g, _):
        s = pl.ds(g * _L, _L)
        l = g * _L + lane
        fl = lax.shift_right_logical(l, 2)
        i0 = plsc.load_gather(sfv, [fl * 3])
        i1 = plsc.load_gather(sfv, [fl * 3 + 1])
        i2 = plsc.load_gather(sfv, [fl * 3 + 2])
        ca = plsc.load_gather(cfv, [l * 3])
        cb = plsc.load_gather(cfv, [l * 3 + 1])
        cc = plsc.load_gather(cfv, [l * 3 + 2])
        coords = []
        for c in range(3):
            sc_ = (ca * plsc.load_gather(svv, [i0 * 3 + c])
                   + cb * plsc.load_gather(svv, [i1 * 3 + c])
                   + cc * plsc.load_gather(svv, [i2 * 3 + c]))
            coords.append(sc_)
        nrm = coords[0] * coords[0] + coords[1] * coords[1] + coords[2] * coords[2]
        vals = [-2.0 * coords[0], -2.0 * coords[1], -2.0 * coords[2], nrm, ones]
        for r in range(5):
            spv[r, s] = vals[r]
        return _

    def ovg_loop(g, _):
        s = pl.ds(g * _L, _L)
        rows = jnp.minimum(w * (_NVP // _NW) + g * _L + lane, nv_real - 1)
        coords = [plsc.load_gather(ovv, [rows * 3 + c]) for c in range(3)]
        nrm = coords[0] * coords[0] + coords[1] * coords[1] + coords[2] * coords[2]
        for c in range(3):
            ovgv[c, s] = coords[c]
        ovgv[3, s] = ones
        ovgv[4, s] = nrm
        return _

    lax.fori_loop(0, _NOP // _NW // _L, ob_loop, 0)
    lax.fori_loop(0, _NQP // _NW // _L, qb_loop, 0)
    lax.fori_loop(0, _NSP // _NW // _L, sp_loop, 0)
    lax.fori_loop(0, _NVP // _NW // _L, ovg_loop, 0)

    pltpu.sync_copy(obv, ob_hbm.at[w])
    pltpu.sync_copy(ovgv, ovg_hbm.at[w])
    pltpu.sync_copy(qbv, qb_hbm.at[w])
    pltpu.sync_copy(spv, sp_hbm.at[w])


def _sc_stage(ovf, svf, off, sff, cff, nv_real, interpret=False):
    f32, i32 = jnp.float32, jnp.int32
    mesh = plsc.VectorSubcoreMesh(core_axis_name="c", subcore_axis_name="s")
    out_type = (
        jax.ShapeDtypeStruct((_NW, 5, _NOP // _NW), f32),
        jax.ShapeDtypeStruct((_NW, 5, _NVP // _NW), f32),
        jax.ShapeDtypeStruct((_NW, 5, _NQP // _NW), f32),
        jax.ShapeDtypeStruct((_NW, 5, _NSP // _NW), f32),
    )
    scratch = [
        pltpu.VMEM(ovf.shape, f32), pltpu.VMEM(svf.shape, f32),
        pltpu.VMEM((1920,), i32), pltpu.VMEM((144,), i32),
        pltpu.VMEM((576,), f32),
        pltpu.VMEM((5, 640), f32), pltpu.VMEM((5, 320), f32),
        pltpu.VMEM((5, _NQP // _NW), f32), pltpu.VMEM((5, _NSP // _NW), f32),
    ]
    fn = pl.kernel(functools.partial(_sc_body, nv_real), out_type,
                   mesh=mesh, scratch_types=scratch,
                   compiler_params=pltpu.CompilerParams(
                       needs_layout_passes=False),
                   interpret=interpret)
    return fn(ovf, svf, off, sff, cff)




def _tc_body(nreal_q, qr, ob, sr, ov, fpf, fps, out, acc, dacc):
    i = pl.program_id(0)

    @pl.when(i == 0)
    def _init():
        acc[0] = 0.0001 * (nreal_q - jnp.sum(fpf[...]))
        acc[1] = 0.0
        acc[2] = 0.0

    def min_block(q_ref, c_ref, qs, n_chunks):
        q3 = q_ref[pl.ds(qs, _MB), 0:3]

        for n in range(n_chunks):
            cross = lax.dot_general(
                q3, c_ref[0:3, pl.ds(n * _NCH, _NCH)],
                dimension_numbers=(((1,), (0,)), ((), ())),
                preferred_element_type=jnp.float32)
            sq = c_ref[4:5, pl.ds(n * _NCH, _NCH)] + cross
            dacc[...] = sq if n == 0 else jnp.minimum(dacc[...], sq)

        qn = q_ref[pl.ds(qs, _MB), 3]
        m = qn + jnp.min(dacc[...], axis=1)
        return jnp.sqrt(jnp.maximum(m, 0.0))

    @pl.when(i < _FWD_STEPS)
    def _fwd():
        qs = pl.multiple_of(i * _MB, _MB)
        dist = min_block(qr, ob, qs, _NOP // _NCH)
        acc[0] += jnp.sum(fpf[0, pl.ds(qs, _MB)] * dist)

    @pl.when(i >= _FWD_STEPS)
    def _rev():
        qs = pl.multiple_of((i - _FWD_STEPS) * _MB, _MB)
        dist = min_block(sr, ov, qs, _NVP // _NCH)
        acc[1] += jnp.sum(fps[0, pl.ds(qs, _MB)] * dist)
        acc[2] = jnp.maximum(acc[2], jnp.max(dist))

    @pl.when(i == _STEPS - 1)
    def _fin():
        out[0, 0] = acc[0] + acc[1] * 0.1 / (acc[2] + _EPS)


def _nn_loss(qr, ob, sr, ov, fpf, fps, nreal_q, interpret=False):
    full = lambda s: pl.BlockSpec(s, lambda i: (0,) * len(s))
    return pl.pallas_call(
        functools.partial(_tc_body, nreal_q),
        grid=(_STEPS,),
        in_specs=[full((_NQP, 5)), full((5, _NOP)), full((_NSP, 5)),
                  full((5, _NVP)), full((1, _NQP)), full((1, _NSP))],
        out_specs=pl.BlockSpec(memory_space=pltpu.SMEM),
        out_shape=jax.ShapeDtypeStruct((1, 1), jnp.float32),
        scratch_shapes=[pltpu.SMEM((3,), jnp.float32),
                        pltpu.VMEM((_MB, _NCH), jnp.float32)],
        interpret=interpret,
    )(qr, ob, sr, ov, fpf, fps)




def _edge_pad_rows(x, n_pad):
    return jnp.pad(x, ((0, n_pad - x.shape[0]), (0, 0)), mode="edge")


@functools.lru_cache(maxsize=None)
def _coef_flat(nf):
    with jax.ensure_compile_time_eval(), \
            jax.default_device(jax.devices("cpu")[0]):
        ka, kb = jax.random.split(jax.random.key(42))
        sqrt_r1 = jnp.sqrt(jax.random.uniform(ka, (nf * _NUM_SAMPLES, 1),
                                              dtype=jnp.float32))
        r2 = jax.random.uniform(kb, (nf * _NUM_SAMPLES, 1), dtype=jnp.float32)
        coef = jnp.concatenate([1.0 - sqrt_r1, sqrt_r1 * (1.0 - r2),
                                sqrt_r1 * r2], axis=1)
        coef = jnp.pad(coef, ((0, _NSP - nf * _NUM_SAMPLES), (0, 0)),
                       mode="edge").reshape(-1)
        return np.asarray(coef)


def kernel(original_vertices, original_faces, simplified_vertices,
           simplified_faces, face_probabilities, interpret=False):
    nf = simplified_faces.shape[0]
    nv = original_vertices.shape[0]
    fp = face_probabilities[:nf]

    off = _edge_pad_rows(original_faces.astype(jnp.int32), _NOP).reshape(-1)
    sff = _edge_pad_rows(simplified_faces.astype(jnp.int32), _NQP).reshape(-1)
    cff = jnp.asarray(_coef_flat(nf))
    fpp = jnp.pad(fp, (0, _NQP - nf))

    ob, ovg, qb3, sp3 = _sc_stage(
        original_vertices.reshape(-1), simplified_vertices.reshape(-1),
        off, sff, cff, nv, interpret=interpret)
    fps = fpp[jnp.arange(_NSP) // _NUM_SAMPLES]

    out = _nn_loss(qb3.transpose(0, 2, 1).reshape(_NQP, 5),
                   ob.transpose(1, 0, 2).reshape(5, _NOP),
                   sp3.transpose(0, 2, 1).reshape(_NSP, 5),
                   ovg.transpose(1, 0, 2).reshape(5, _NVP),
                   fpp[None, :], fps[None, :], float(nf),
                   interpret=interpret)
    return out.reshape(())

# --- scband reference (transcript-rebuilt; emitter-appended) ---
"""Pipeline reference for scband-probabilistic-surface-distance-loss-66400194396562 (READ-ONLY COPY).

The authoritative reference and input builder live on the scoring server;
editing this copy changes nothing except your own understanding.
"""

import jax, jax.numpy as jnp
import numpy as np

K = 3
NUM_SAMPLES = 4
EPSILON = 1e-08


def _barycenters(vertices, faces):
    return vertices[faces].mean(axis=1)


def _cdist(a, b):
    sq = jnp.sum(a * a, axis=1)[:, None] + jnp.sum(b * b, axis=1)[None, :] - 2.0 * (a @ b.T)
    return jnp.sqrt(jnp.maximum(sq, 0.0))


def setup_inputs(seed: int = 0) -> dict:
    key = jax.random.key(seed)
    k1, k2, k3, k4, k5 = jax.random.split(key, 5)
    original_vertices = jax.random.normal(k1, (10000, 3), dtype=jnp.float32)
    original_faces = jax.random.randint(k2, (20000, 3), 0, 10000)
    simplified_vertices = jax.random.normal(k3, (1000, 3), dtype=jnp.float32)
    simplified_faces = jax.random.randint(k4, (1500, 3), 0, 1000)
    face_probabilities = jax.random.uniform(k5, (1500,), dtype=jnp.float32)
    return {
        "original_vertices": original_vertices,
        "original_faces": original_faces,
        "simplified_vertices": simplified_vertices,
        "simplified_faces": simplified_faces,
        "face_probabilities": face_probabilities,
    }


def reference(original_vertices, original_faces, simplified_vertices, simplified_faces, face_probabilities):
    n_simp_faces = simplified_faces.shape[0]
    # pad/truncate face_probabilities to match simplified_faces (no-op here, kept faithful)
    fp = face_probabilities
    if fp.shape[0] < n_simp_faces:
        fp = jnp.pad(fp, (0, n_simp_faces - fp.shape[0]))
    fp = fp[:n_simp_faces]

    # ---- forward term ----
    simplified_bary = _barycenters(simplified_vertices, simplified_faces)
    original_bary = _barycenters(original_vertices, original_faces)
    distances = _cdist(simplified_bary, original_bary)
    min_distances = distances.min(axis=1)
    forward_term = (fp * min_distances).sum() + 0.0001 * (1.0 - fp).sum()

    # ---- reverse term ----
    face_vertices = simplified_vertices[simplified_faces]  # [F, 3, 3]
    skey = jax.random.key(42)
    ka, kb = jax.random.split(skey)
    sqrt_r1 = jnp.sqrt(jax.random.uniform(ka, (n_simp_faces, NUM_SAMPLES, 1), dtype=jnp.float32))
    r2 = jax.random.uniform(kb, (n_simp_faces, NUM_SAMPLES, 1), dtype=jnp.float32)
    a = 1.0 - sqrt_r1
    b = sqrt_r1 * (1.0 - r2)
    c = sqrt_r1 * r2
    samples = (a * face_vertices[:, None, 0]
               + b * face_vertices[:, None, 1]
               + c * face_vertices[:, None, 2])
    sampled_points = samples.reshape(-1, 3)

    dmat = _cdist(sampled_points, original_vertices)  # brute-force knn, k=1
    dmin = dmat.min(axis=1)
    max_dist = dmin.max() + EPSILON
    scaled = dmin / max_dist * 0.1
    fp_expanded = jnp.repeat(fp, NUM_SAMPLES)
    reverse_term = (fp_expanded * scaled).sum()

    return forward_term + reverse_term

if __name__ == "__main__":
    import jax
    _d = setup_inputs()
    print(jax.jit(kernel)(*tuple(_d.values())))

</pallas_src>

<mosaic_0001>
#map = affine_map<(d0, d1) -> (0)>
#map1 = affine_map<(d0, d1) -> (0, 0, 0)>
module attributes {stable_mosaic.version = 14 : i64} {
  func.func @_sc_body(%arg0: i32, %arg1: i32, %arg2: memref<30000xf32, #tpu.memory_space<hbm>>, %arg3: memref<3000xf32, #tpu.memory_space<hbm>>, %arg4: memref<61440xi32, #tpu.memory_space<hbm>>, %arg5: memref<4608xi32, #tpu.memory_space<hbm>>, %arg6: memref<18432xf32, #tpu.memory_space<hbm>>, %arg7: memref<32x5x640xf32, #tpu.memory_space<hbm>>, %arg8: memref<32x5x320xf32, #tpu.memory_space<hbm>>, %arg9: memref<32x5x48xf32, #tpu.memory_space<hbm>>, %arg10: memref<32x5x192xf32, #tpu.memory_space<hbm>>, %arg11: memref<30000xf32, #tpu.memory_space<vmem>>, %arg12: memref<3000xf32, #tpu.memory_space<vmem>>, %arg13: memref<1920xi32, #tpu.memory_space<vmem>>, %arg14: memref<144xi32, #tpu.memory_space<vmem>>, %arg15: memref<576xf32, #tpu.memory_space<vmem>>, %arg16: memref<5x640xf32, #tpu.memory_space<vmem>>, %arg17: memref<5x320xf32, #tpu.memory_space<vmem>>, %arg18: memref<5x48xf32, #tpu.memory_space<vmem>>, %arg19: memref<5x192xf32, #tpu.memory_space<vmem>>) attributes {dimension_semantics = [#tpu.dimension_semantics<core_parallel>, #tpu.dimension_semantics<subcore_parallel>], iteration_bounds = array<i64: 2, 16>, scalar_prefetch = 0 : i64, scratch_operands = 9 : i64, tpu.core_type = #tpu.core_type<sc_vector_subcore>, window_params = [{transform_indices = #map}, {transform_indices = #map}, {transform_indices = #map}, {transform_indices = #map}, {transform_indices = #map}, {transform_indices = #map1}, {transform_indices = #map1}, {transform_indices = #map1}, {transform_indices = #map1}]} {
    %mul3A = arith.constant 2 : i32
    %mul3A_0 = arith.muli %arg1, %mul3A : i32
    %add3A = arith.addi %mul3A_0, %arg0 : i32
    "tpu.region"() ({
      %run_scoped3A = tpu.sem_alloc : memref<!tpu.dma_semaphore, #tpu.memory_space<semaphore_mem>>
      tpu.enqueue_dma source(%arg2 : memref<30000xf32, #tpu.memory_space<hbm>>) target(%arg11 : memref<30000xf32, #tpu.memory_space<vmem>>) target_semaphore(%run_scoped3A : memref<!tpu.dma_semaphore, #tpu.memory_space<semaphore_mem>>)
      tpu.wait_dma2 semaphore(%run_scoped3A : memref<!tpu.dma_semaphore, #tpu.memory_space<semaphore_mem>>) src(%arg2 : memref<30000xf32, #tpu.memory_space<hbm>>) dst(%arg11 : memref<30000xf32, #tpu.memory_space<vmem>>)
      tpu.yield
    }) : () -> ()
    "tpu.region"() ({
      %run_scoped3A = tpu.sem_alloc : memref<!tpu.dma_semaphore, #tpu.memory_space<semaphore_mem>>
      tpu.enqueue_dma source(%arg3 : memref<3000xf32, #tpu.memory_space<hbm>>) target(%arg12 : memref<3000xf32, #tpu.memory_space<vmem>>) target_semaphore(%run_scoped3A : memref<!tpu.dma_semaphore, #tpu.memory_space<semaphore_mem>>)
      tpu.wait_dma2 semaphore(%run_scoped3A : memref<!tpu.dma_semaphore, #tpu.memory_space<semaphore_mem>>) src(%arg3 : memref<3000xf32, #tpu.memory_space<hbm>>) dst(%arg12 : memref<3000xf32, #tpu.memory_space<vmem>>)
      tpu.yield
    }) : () -> ()
    %mul3A_1 = arith.constant 1920 : i32
    %mul3A_2 = arith.muli %add3A, %mul3A_1 : i32
    "tpu.region"() ({
      %run_scoped3A = tpu.sem_alloc : memref<!tpu.dma_semaphore, #tpu.memory_space<semaphore_mem>>
      %dma_start3A = tpu.memref_slice %arg4[%mul3A_2] : memref<61440xi32, #tpu.memory_space<hbm>> -> memref<1920xi32, #tpu.memory_space<hbm>>
      %dma_start3A_31 = tpu.memref_slice %arg4[%mul3A_2] : memref<61440xi32, #tpu.memory_space<hbm>> -> memref<1920xi32, #tpu.memory_space<hbm>>
      tpu.enqueue_dma source(%dma_start3A_31 : memref<1920xi32, #tpu.memory_space<hbm>>) target(%arg13 : memref<1920xi32, #tpu.memory_space<vmem>>) target_semaphore(%run_scoped3A : memref<!tpu.dma_semaphore, #tpu.memory_space<semaphore_mem>>)
      %dma_wait3A = tpu.memref_slice %arg4[%mul3A_2] : memref<61440xi32, #tpu.memory_space<hbm>> -> memref<1920xi32, #tpu.memory_space<hbm>>
      %dma_wait3A_32 = tpu.memref_slice %arg4[%mul3A_2] : memref<61440xi32, #tpu.memory_space<hbm>> -> memref<1920xi32, #tpu.memory_space<hbm>>
      tpu.wait_dma2 semaphore(%run_scoped3A : memref<!tpu.dma_semaphore, #tpu.memory_space<semaphore_mem>>) src(%dma_wait3A_32 : memref<1920xi32, #tpu.memory_space<hbm>>) dst(%arg13 : memref<1920xi32, #tpu.memory_space<vmem>>)
      tpu.yield
    }) : () -> ()
    %mul3A_3 = arith.constant 144 : i32
    %mul3A_4 = arith.muli %add3A, %mul3A_3 : i32
    "tpu.region"() ({
      %run_scoped3A = tpu.sem_alloc : memref<!tpu.dma_semaphore, #tpu.memory_space<semaphore_mem>>
      %dma_start3A = tpu.memref_slice %arg5[%mul3A_4] : memref<4608xi32, #tpu.memory_space<hbm>> -> memref<144xi32, #tpu.memory_space<hbm>>
      %dma_start3A_31 = tpu.memref_slice %arg5[%mul3A_4] : memref<4608xi32, #tpu.memory_space<hbm>> -> memref<144xi32, #tpu.memory_space<hbm>>
      tpu.enqueue_dma source(%dma_start3A_31 : memref<144xi32, #tpu.memory_space<hbm>>) target(%arg14 : memref<144xi32, #tpu.memory_space<vmem>>) target_semaphore(%run_scoped3A : memref<!tpu.dma_semaphore, #tpu.memory_space<semaphore_mem>>)
      %dma_wait3A = tpu.memref_slice %arg5[%mul3A_4] : memref<4608xi32, #tpu.memory_space<hbm>> -> memref<144xi32, #tpu.memory_space<hbm>>
      %dma_wait3A_32 = tpu.memref_slice %arg5[%mul3A_4] : memref<4608xi32, #tpu.memory_space<hbm>> -> memref<144xi32, #tpu.memory_space<hbm>>
      tpu.wait_dma2 semaphore(%run_scoped3A : memref<!tpu.dma_semaphore, #tpu.memory_space<semaphore_mem>>) src(%dma_wait3A_32 : memref<144xi32, #tpu.memory_space<hbm>>) dst(%arg14 : memref<144xi32, #tpu.memory_space<vmem>>)
      tpu.yield
    }) : () -> ()
    %mul3A_5 = arith.constant 576 : i32
    %mul3A_6 = arith.muli %add3A, %mul3A_5 : i32
    "tpu.region"() ({
      %run_scoped3A = tpu.sem_alloc : memref<!tpu.dma_semaphore, #tpu.memory_space<semaphore_mem>>
      %dma_start3A = tpu.memref_slice %arg6[%mul3A_6] : memref<18432xf32, #tpu.memory_space<hbm>> -> memref<576xf32, #tpu.memory_space<hbm>>
      %dma_start3A_31 = tpu.memref_slice %arg6[%mul3A_6] : memref<18432xf32, #tpu.memory_space<hbm>> -> memref<576xf32, #tpu.memory_space<hbm>>
      tpu.enqueue_dma source(%dma_start3A_31 : memref<576xf32, #tpu.memory_space<hbm>>) target(%arg15 : memref<576xf32, #tpu.memory_space<vmem>>) target_semaphore(%run_scoped3A : memref<!tpu.dma_semaphore, #tpu.memory_space<semaphore_mem>>)
      %dma_wait3A = tpu.memref_slice %arg6[%mul3A_6] : memref<18432xf32, #tpu.memory_space<hbm>> -> memref<576xf32, #tpu.memory_space<hbm>>
      %dma_wait3A_32 = tpu.memref_slice %arg6[%mul3A_6] : memref<18432xf32, #tpu.memory_space<hbm>> -> memref<576xf32, #tpu.memory_space<hbm>>
      tpu.wait_dma2 semaphore(%run_scoped3A : memref<!tpu.dma_semaphore, #tpu.memory_space<semaphore_mem>>) src(%dma_wait3A_32 : memref<576xf32, #tpu.memory_space<hbm>>) dst(%arg15 : memref<576xf32, #tpu.memory_space<vmem>>)
      tpu.yield
    }) : () -> ()
    %broadcast_in_dim3A = arith.constant 1.000000e+00 : f32
    %broadcast_in_dim3A_7 = vector.broadcast %broadcast_in_dim3A : f32 to vector<16xf32>
    %iota3A = tpu.iota {dimensions = array<i32: 0>} : vector<16xi32>
    %scan3A = arith.constant 0 : i32
    %scan3A_8 = arith.constant 0 : i32
    %scan3A_9 = arith.constant 40 : i32
    %scan3A_10 = arith.addi %scan3A_8, %scan3A_9 : i32
    %scan3A_11 = arith.constant 1 : i32
    scf.for %scan3A_31 = %scan3A_8 to %scan3A_10 step %scan3A_11  : i32 {
      %mul3A_32 = arith.constant 16 : i32
      %mul3A_33 = arith.muli %scan3A_31, %mul3A_32 : i32
      %mul3A_34 = arith.constant 16 : i32
      %mul3A_35 = arith.muli %scan3A_31, %mul3A_34 : i32
      %add3A_36 = vector.broadcast %mul3A_35 : i32 to vector<16xi32>
      %add3A_37 = arith.addi %add3A_36, %iota3A : vector<16xi32>
      %mul3A_38 = arith.constant 3 : i32
      %mul3A_39 = vector.broadcast %mul3A_38 : i32 to vector<16xi32>
      %mul3A_40 = arith.muli %add3A_37, %mul3A_39 : vector<16xi32>
      %gather3A = tpu.vector_load_idx %arg13[%mul3A_40] : memref<1920xi32, #tpu.memory_space<vmem>>[vector<16xi32>], vector<16xi32>,
      %mul3A_41 = arith.constant 3 : i32
      %mul3A_42 = vector.broadcast %mul3A_41 : i32 to vector<16xi32>
      %mul3A_43 = arith.muli %add3A_37, %mul3A_42 : vector<16xi32>
      %add3A_44 = arith.constant 1 : i32
      %add3A_45 = vector.broadcast %add3A_44 : i32 to vector<16xi32>
      %add3A_46 = arith.addi %mul3A_43, %add3A_45 : vector<16xi32>
      %gather3A_47 = tpu.vector_load_idx %arg13[%add3A_46] : memref<1920xi32, #tpu.memory_space<vmem>>[vector<16xi32>], vector<16xi32>,
      %mul3A_48 = arith.constant 3 : i32
      %mul3A_49 = vector.broadcast %mul3A_48 : i32 to vector<16xi32>
      %mul3A_50 = arith.muli %add3A_37, %mul3A_49 : vector<16xi32>
      %add3A_51 = arith.constant 2 : i32
      %add3A_52 = vector.broadcast %add3A_51 : i32 to vector<16xi32>
      %add3A_53 = arith.addi %mul3A_50, %add3A_52 : vector<16xi32>
      %gather3A_54 = tpu.vector_load_idx %arg13[%add3A_53] : memref<1920xi32, #tpu.memory_space<vmem>>[vector<16xi32>], vector<16xi32>,
      %mul3A_55 = arith.constant 3 : i32
      %mul3A_56 = vector.broadcast %mul3A_55 : i32 to vector<16xi32>
      %mul3A_57 = arith.muli %gather3A, %mul3A_56 : vector<16xi32>
      %add3A_58 = arith.constant 0 : i32
      %add3A_59 = vector.broadcast %add3A_58 : i32 to vector<16xi32>
      %add3A_60 = arith.addi %mul3A_57, %add3A_59 : vector<16xi32>
      %gather3A_61 = tpu.vector_load_idx %arg11[%add3A_60] : memref<30000xf32, #tpu.memory_space<vmem>>[vector<16xi32>], vector<16xf32>,
      %mul3A_62 = arith.constant 3 : i32
      %mul3A_63 = vector.broadcast %mul3A_62 : i32 to vector<16xi32>
      %mul3A_64 = arith.muli %gather3A_47, %mul3A_63 : vector<16xi32>
      %add3A_65 = arith.constant 0 : i32
      %add3A_66 = vector.broadcast %add3A_65 : i32 to vector<16xi32>
      %add3A_67 = arith.addi %mul3A_64, %add3A_66 : vector<16xi32>
      %gather3A_68 = tpu.vector_load_idx %arg11[%add3A_67] : memref<30000xf32, #tpu.memory_space<vmem>>[vector<16xi32>], vector<16xf32>,
      %add3A_69 = arith.addf %gather3A_61, %gather3A_68 : vector<16xf32>
      %mul3A_70 = arith.constant 3 : i32
      %mul3A_71 = vector.broadcast %mul3A_70 : i32 to vector<16xi32>
      %mul3A_72 = arith.muli %gather3A_54, %mul3A_71 : vector<16xi32>
      %add3A_73 = arith.constant 0 : i32
      %add3A_74 = vector.broadcast %add3A_73 : i32 to vector<16xi32>
      %add3A_75 = arith.addi %mul3A_72, %add3A_74 : vector<16xi32>
      %gather3A_76 = tpu.vector_load_idx %arg11[%add3A_75] : memref<30000xf32, #tpu.memory_space<vmem>>[vector<16xi32>], vector<16xf32>,
      %add3A_77 = arith.addf %add3A_69, %gather3A_76 : vector<16xf32>
      %div3A = arith.constant 3.000000e+00 : f32
      %div3A_78 = vector.broadcast %div3A : f32 to vector<16xf32>
      %div3A_79 = arith.divf %add3A_77, %div3A_78 : vector<16xf32>
      %mul3A_80 = arith.constant 3 : i32
      %mul3A_81 = vector.broadcast %mul3A_80 : i32 to vector<16xi32>
      %mul3A_82 = arith.muli %gather3A, %mul3A_81 : vector<16xi32>
      %add3A_83 = arith.constant 1 : i32
      %add3A_84 = vector.broadcast %add3A_83 : i32 to vector<16xi32>
      %add3A_85 = arith.addi %mul3A_82, %add3A_84 : vector<16xi32>
      %gather3A_86 = tpu.vector_load_idx %arg11[%add3A_85] : memref<30000xf32, #tpu.memory_space<vmem>>[vector<16xi32>], vector<16xf32>,
      %mul3A_87 = arith.constant 3 : i32
      %mul3A_88 = vector.broadcast %mul3A_87 : i32 to vector<16xi32>
      %mul3A_89 = arith.muli %gather3A_47, %mul3A_88 : vector<16xi32>
      %add3A_90 = arith.constant 1 : i32
      %add3A_91 = vector.broadcast %add3A_90 : i32 to vector<16xi32>
      %add3A_92 = arith.addi %mul3A_89, %add3A_91 : vector<16xi32>
      %gather3A_93 = tpu.vector_load_idx %arg11[%add3A_92] : memref<30000xf32, #tpu.memory_space<vmem>>[vector<16xi32>], vector<16xf32>,
      %add3A_94 = arith.addf %gather3A_86, %gather3A_93 : vector<16xf32>
      %mul3A_95 = arith.constant 3 : i32
      %mul3A_96 = vector.broadcast %mul3A_95 : i32 to vector<16xi32>
      %mul3A_97 = arith.muli %gather3A_54, %mul3A_96 : vector<16xi32>
      %add3A_98 = arith.constant 1 : i32
      %add3A_99 = vector.broadcast %add3A_98 : i32 to vector<16xi32>
      %add3A_100 = arith.addi %mul3A_97, %add3A_99 : vector<16xi32>
      %gather3A_101 = tpu.vector_load_idx %arg11[%add3A_100] : memref<30000xf32, #tpu.memory_space<vmem>>[vector<16xi32>], vector<16xf32>,
      %add3A_102 = arith.addf %add3A_94, %gather3A_101 : vector<16xf32>
      %div3A_103 = arith.constant 3.000000e+00 : f32
      %div3A_104 = vector.broadcast %div3A_103 : f32 to vector<16xf32>
      %div3A_105 = arith.divf %add3A_102, %div3A_104 : vector<16xf32>
      %mul3A_106 = arith.constant 3 : i32
      %mul3A_107 = vector.broadcast %mul3A_106 : i32 to vector<16xi32>
      %mul3A_108 = arith.muli %gather3A, %mul3A_107 : vector<16xi32>
      %add3A_109 = arith.constant 2 : i32
      %add3A_110 = vector.broadcast %add3A_109 : i32 to vector<16xi32>
      %add3A_111 = arith.addi %mul3A_108, %add3A_110 : vector<16xi32>
      %gather3A_112 = tpu.vector_load_idx %arg11[%add3A_111] : memref<30000xf32, #tpu.memory_space<vmem>>[vector<16xi32>], vector<16xf32>,
      %mul3A_113 = arith.constant 3 : i32
      %mul3A_114 = vector.broadcast %mul3A_113 : i32 to vector<16xi32>
      %mul3A_115 = arith.muli %gather3A_47, %mul3A_114 : vector<16xi32>
      %add3A_116 = arith.constant 2 : i32
      %add3A_117 = vector.broadcast %add3A_116 : i32 to vector<16xi32>
      %add3A_118 = arith.addi %mul3A_115, %add3A_117 : vector<16xi32>
      %gather3A_119 = tpu.vector_load_idx %arg11[%add3A_118] : memref<30000xf32, #tpu.memory_space<vmem>>[vector<16xi32>], vector<16xf32>,
      %add3A_120 = arith.addf %gather3A_112, %gather3A_119 : vector<16xf32>
      %mul3A_121 = arith.constant 3 : i32
      %mul3A_122 = vector.broadcast %mul3A_121 : i32 to vector<16xi32>
      %mul3A_123 = arith.muli %gather3A_54, %mul3A_122 : vector<16xi32>
      %add3A_124 = arith.constant 2 : i32
      %add3A_125 = vector.broadcast %add3A_124 : i32 to vector<16xi32>
      %add3A_126 = arith.addi %mul3A_123, %add3A_125 : vector<16xi32>
      %gather3A_127 = tpu.vector_load_idx %arg11[%add3A_126] : memref<30000xf32, #tpu.memory_space<vmem>>[vector<16xi32>], vector<16xf32>,
      %add3A_128 = arith.addf %add3A_120, %gather3A_127 : vector<16xf32>
      %div3A_129 = arith.constant 3.000000e+00 : f32
      %div3A_130 = vector.broadcast %div3A_129 : f32 to vector<16xf32>
      %div3A_131 = arith.divf %add3A_128, %div3A_130 : vector<16xf32>
      %mul3A_132 = arith.mulf %div3A_79, %div3A_79 : vector<16xf32>
      %mul3A_133 = arith.mulf %div3A_105, %div3A_105 : vector<16xf32>
      %add3A_134 = arith.addf %mul3A_132, %mul3A_133 : vector<16xf32>
      %mul3A_135 = arith.mulf %div3A_131, %div3A_131 : vector<16xf32>
      %add3A_136 = arith.addf %add3A_134, %mul3A_135 : vector<16xf32>
      %swap3A = arith.constant 0 : i32
      %swap3A_137 = arith.index_cast %swap3A : i32 to index
      %swap3A_138 = arith.index_cast %mul3A_33 : i32 to index
      %swap3A_139 = tpu.vector_load %arg16[%swap3A_137, %swap3A_138] {strides = array<i32>} : memref<5x640xf32, #tpu.memory_space<vmem>>, vector<16xf32>,
      tpu.vector_store %arg16[%swap3A_137, %swap3A_138], %div3A_79 {strides = array<i32>} : memref<5x640xf32, #tpu.memory_space<vmem>>, vector<16xf32>,
      %swap3A_140 = arith.constant 1 : i32
      %swap3A_141 = arith.index_cast %swap3A_140 : i32 to index
      %swap3A_142 = arith.index_cast %mul3A_33 : i32 to index
      %swap3A_143 = tpu.vector_load %arg16[%swap3A_141, %swap3A_142] {strides = array<i32>} : memref<5x640xf32, #tpu.memory_space<vmem>>, vector<16xf32>,
      tpu.vector_store %arg16[%swap3A_141, %swap3A_142], %div3A_105 {strides = array<i32>} : memref<5x640xf32, #tpu.memory_space<vmem>>, vector<16xf32>,
      %swap3A_144 = arith.constant 2 : i32
      %swap3A_145 = arith.index_cast %swap3A_144 : i32 to index
      %swap3A_146 = arith.index_cast %mul3A_33 : i32 to index
      %swap3A_147 = tpu.vector_load %arg16[%swap3A_145, %swap3A_146] {strides = array<i32>} : memref<5x640xf32, #tpu.memory_space<vmem>>, vector<16xf32>,
      tpu.vector_store %arg16[%swap3A_145, %swap3A_146], %div3A_131 {strides = array<i32>} : memref<5x640xf32, #tpu.memory_space<vmem>>, vector<16xf32>,
      %swap3A_148 = arith.constant 3 : i32
      %swap3A_149 = arith.index_cast %swap3A_148 : i32 to index
      %swap3A_150 = arith.index_cast %mul3A_33 : i32 to index
      %swap3A_151 = tpu.vector_load %arg16[%swap3A_149, %swap3A_150] {strides = array<i32>} : memref<5x640xf32, #tpu.memory_space<vmem>>, vector<16xf32>,
      tpu.vector_store %arg16[%swap3A_149, %swap3A_150], %broadcast_in_dim3A_7 {strides = array<i32>} : memref<5x640xf32, #tpu.memory_space<vmem>>, vector<16xf32>,
      %swap3A_152 = arith.constant 4 : i32
      %swap3A_153 = arith.index_cast %swap3A_152 : i32 to index
      %swap3A_154 = arith.index_cast %mul3A_33 : i32 to index
      %swap3A_155 = tpu.vector_load %arg16[%swap3A_153, %swap3A_154] {strides = array<i32>} : memref<5x640xf32, #tpu.memory_space<vmem>>, vector<16xf32>,
      tpu.vector_store %arg16[%swap3A_153, %swap3A_154], %add3A_136 {strides = array<i32>} : memref<5x640xf32, #tpu.memory_space<vmem>>, vector<16xf32>,
    }
    %scan3A_12 = arith.constant 40 : i32
    %scan3A_13 = arith.constant 0 : i32
    %scan3A_14 = arith.constant 0 : i32
    %scan3A_15 = arith.constant 3 : i32
    %scan3A_16 = arith.addi %scan3A_14, %scan3A_15 : i32
    %scan3A_17 = arith.constant 1 : i32
    scf.for %scan3A_31 = %scan3A_14 to %scan3A_16 step %scan3A_17  : i32 {
      %mul3A_32 = arith.constant 16 : i32
      %mul3A_33 = arith.muli %scan3A_31, %mul3A_32 : i32
      %add3A_34 = vector.broadcast %mul3A_33 : i32 to vector<16xi32>
      %add3A_35 = arith.addi %add3A_34, %iota3A : vector<16xi32>
      %mul3A_36 = arith.constant 3 : i32
      %mul3A_37 = vector.broadcast %mul3A_36 : i32 to vector<16xi32>
      %mul3A_38 = arith.muli %add3A_35, %mul3A_37 : vector<16xi32>
      %gather3A = tpu.vector_load_idx %arg14[%mul3A_38] : memref<144xi32, #tpu.memory_space<vmem>>[vector<16xi32>], vector<16xi32>,
      %mul3A_39 = arith.constant 3 : i32
      %mul3A_40 = vector.broadcast %mul3A_39 : i32 to vector<16xi32>
      %mul3A_41 = arith.muli %add3A_35, %mul3A_40 : vector<16xi32>
      %add3A_42 = arith.constant 1 : i32
      %add3A_43 = vector.broadcast %add3A_42 : i32 to vector<16xi32>
      %add3A_44 = arith.addi %mul3A_41, %add3A_43 : vector<16xi32>
      %gather3A_45 = tpu.vector_load_idx %arg14[%add3A_44] : memref<144xi32, #tpu.memory_space<vmem>>[vector<16xi32>], vector<16xi32>,
      %mul3A_46 = arith.constant 3 : i32
      %mul3A_47 = vector.broadcast %mul3A_46 : i32 to vector<16xi32>
      %mul3A_48 = arith.muli %add3A_35, %mul3A_47 : vector<16xi32>
      %add3A_49 = arith.constant 2 : i32
      %add3A_50 = vector.broadcast %add3A_49 : i32 to vector<16xi32>
      %add3A_51 = arith.addi %mul3A_48, %add3A_50 : vector<16xi32>
      %gather3A_52 = tpu.vector_load_idx %arg14[%add3A_51] : memref<144xi32, #tpu.memory_space<vmem>>[vector<16xi32>], vector<16xi32>,
      %mul3A_53 = arith.constant 3 : i32
      %mul3A_54 = vector.broadcast %mul3A_53 : i32 to vector<16xi32>
      %mul3A_55 = arith.muli %gather3A, %mul3A_54 : vector<16xi32>
      %add3A_56 = arith.constant 0 : i32
      %add3A_57 = vector.broadcast %add3A_56 : i32 to vector<16xi32>
      %add3A_58 = arith.addi %mul3A_55, %add3A_57 : vector<16xi32>
      %gather3A_59 = tpu.vector_load_idx %arg12[%add3A_58] : memref<3000xf32, #tpu.memory_space<vmem>>[vector<16xi32>], vector<16xf32>,
      %mul3A_60 = arith.constant 3 : i32
      %mul3A_61 = vector.broadcast %mul3A_60 : i32 to vector<16xi32>
      %mul3A_62 = arith.muli %gather3A_45, %mul3A_61 : vector<16xi32>
      %add3A_63 = arith.constant 0 : i32
      %add3A_64 = vector.broadcast %add3A_63 : i32 to vector<16xi32>
      %add3A_65 = arith.addi %mul3A_62, %add3A_64 : vector<16xi32>
      %gather3A_66 = tpu.vector_load_idx %arg12[%add3A_65] : memref<3000xf32, #tpu.memory_space<vmem>>[vector<16xi32>], vector<16xf32>,
      %add3A_67 = arith.addf %gather3A_59, %gather3A_66 : vector<16xf32>
      %mul3A_68 = arith.constant 3 : i32
      %mul3A_69 = vector.broadcast %mul3A_68 : i32 to vector<16xi32>
      %mul3A_70 = arith.muli %gather3A_52, %mul3A_69 : vector<16xi32>
      %add3A_71 = arith.constant 0 : i32
      %add3A_72 = vector.broadcast %add3A_71 : i32 to vector<16xi32>
      %add3A_73 = arith.addi %mul3A_70, %add3A_72 : vector<16xi32>
      %gather3A_74 = tpu.vector_load_idx %arg12[%add3A_73] : memref<3000xf32, #tpu.memory_space<vmem>>[vector<16xi32>], vector<16xf32>,
      %add3A_75 = arith.addf %add3A_67, %gather3A_74 : vector<16xf32>
      %div3A = arith.constant 3.000000e+00 : f32
      %div3A_76 = vector.broadcast %div3A : f32 to vector<16xf32>
      %div3A_77 = arith.divf %add3A_75, %div3A_76 : vector<16xf32>
      %mul3A_78 = arith.constant 3 : i32
      %mul3A_79 = vector.broadcast %mul3A_78 : i32 to vector<16xi32>
      %mul3A_80 = arith.muli %gather3A, %mul3A_79 : vector<16xi32>
      %add3A_81 = arith.constant 1 : i32
      %add3A_82 = vector.broadcast %add3A_81 : i32 to vector<16xi32>
      %add3A_83 = arith.addi %mul3A_80, %add3A_82 : vector<16xi32>
      %gather3A_84 = tpu.vector_load_idx %arg12[%add3A_83] : memref<3000xf32, #tpu.memory_space<vmem>>[vector<16xi32>], vector<16xf32>,
      %mul3A_85 = arith.constant 3 : i32
      %mul3A_86 = vector.broadcast %mul3A_85 : i32 to vector<16xi32>
      %mul3A_87 = arith.muli %gather3A_45, %mul3A_86 : vector<16xi32>
      %add3A_88 = arith.constant 1 : i32
      %add3A_89 = vector.broadcast %add3A_88 : i32 to vector<16xi32>
      %add3A_90 = arith.addi %mul3A_87, %add3A_89 : vector<16xi32>
      %gather3A_91 = tpu.vector_load_idx %arg12[%add3A_90] : memref<3000xf32, #tpu.memory_space<vmem>>[vector<16xi32>], vector<16xf32>,
      %add3A_92 = arith.addf %gather3A_84, %gather3A_91 : vector<16xf32>
      %mul3A_93 = arith.constant 3 : i32
      %mul3A_94 = vector.broadcast %mul3A_93 : i32 to vector<16xi32>
      %mul3A_95 = arith.muli %gather3A_52, %mul3A_94 : vector<16xi32>
      %add3A_96 = arith.constant 1 : i32
      %add3A_97 = vector.broadcast %add3A_96 : i32 to vector<16xi32>
      %add3A_98 = arith.addi %mul3A_95, %add3A_97 : vector<16xi32>
      %gather3A_99 = tpu.vector_load_idx %arg12[%add3A_98] : memref<3000xf32, #tpu.memory_space<vmem>>[vector<16xi32>], vector<16xf32>,
      %add3A_100 = arith.addf %add3A_92, %gather3A_99 : vector<16xf32>
      %div3A_101 = arith.constant 3.000000e+00 : f32
      %div3A_102 = vector.broadcast %div3A_101 : f32 to vector<16xf32>
      %div3A_103 = arith.divf %add3A_100, %div3A_102 : vector<16xf32>
      %mul3A_104 = arith.constant 3 : i32
      %mul3A_105 = vector.broadcast %mul3A_104 : i32 to vector<16xi32>
      %mul3A_106 = arith.muli %gather3A, %mul3A_105 : vector<16xi32>
      %add3A_107 = arith.constant 2 : i32
      %add3A_108 = vector.broadcast %add3A_107 : i32 to vector<16xi32>
      %add3A_109 = arith.addi %mul3A_106, %add3A_108 : vector<16xi32>
      %gather3A_110 = tpu.vector_load_idx %arg12[%add3A_109] : memref<3000xf32, #tpu.memory_space<vmem>>[vector<16xi32>], vector<16xf32>,
      %mul3A_111 = arith.constant 3 : i32
      %mul3A_112 = vector.broadcast %mul3A_111 : i32 to vector<16xi32>
      %mul3A_113 = arith.muli %gather3A_45, %mul3A_112 : vector<16xi32>
      %add3A_114 = arith.constant 2 : i32
      %add3A_115 = vector.broadcast %add3A_114 : i32 to vector<16xi32>
      %add3A_116 = arith.addi %mul3A_113, %add3A_115 : vector<16xi32>
      %gather3A_117 = tpu.vector_load_idx %arg12[%add3A_116] : memref<3000xf32, #tpu.memory_space<vmem>>[vector<16xi32>], vector<16xf32>,
      %add3A_118 = arith.addf %gather3A_110, %gather3A_117 : vector<16xf32>
      %mul3A_119 = arith.constant 3 : i32
      %mul3A_120 = vector.broadcast %mul3A_119 : i32 to vector<16xi32>
      %mul3A_121 = arith.muli %gather3A_52, %mul3A_120 : vector<16xi32>
      %add3A_122 = arith.constant 2 : i32
      %add3A_123 = vector.broadcast %add3A_122 : i32 to vector<16xi32>
      %add3A_124 = arith.addi %mul3A_121, %add3A_123 : vector<16xi32>
      %gather3A_125 = tpu.vector_load_idx %arg12[%add3A_124] : memref<3000xf32, #tpu.memory_space<vmem>>[vector<16xi32>], vector<16xf32>,
      %add3A_126 = arith.addf %add3A_118, %gather3A_125 : vector<16xf32>
      %div3A_127 = arith.constant 3.000000e+00 : f32
      %div3A_128 = vector.broadcast %div3A_127 : f32 to vector<16xf32>
      %div3A_129 = arith.divf %add3A_126, %div3A_128 : vector<16xf32>
      %mul3A_130 = arith.mulf %div3A_77, %div3A_77 : vector<16xf32>
      %mul3A_131 = arith.mulf %div3A_103, %div3A_103 : vector<16xf32>
      %add3A_132 = arith.addf %mul3A_130, %mul3A_131 : vector<16xf32>
      %mul3A_133 = arith.mulf %div3A_129, %div3A_129 : vector<16xf32>
      %add3A_134 = arith.addf %add3A_132, %mul3A_133 : vector<16xf32>
      %mul3A_135 = arith.constant 16 : i32
      %mul3A_136 = arith.muli %scan3A_31, %mul3A_135 : i32
      %mul3A_137 = arith.constant -2.000000e+00 : f32
      %mul3A_138 = vector.broadcast %mul3A_137 : f32 to vector<16xf32>
      %mul3A_139 = arith.mulf %mul3A_138, %div3A_77 : vector<16xf32>
      %mul3A_140 = arith.constant -2.000000e+00 : f32
      %mul3A_141 = vector.broadcast %mul3A_140 : f32 to vector<16xf32>
      %mul3A_142 = arith.mulf %mul3A_141, %div3A_103 : vector<16xf32>
      %mul3A_143 = arith.constant -2.000000e+00 : f32
      %mul3A_144 = vector.broadcast %mul3A_143 : f32 to vector<16xf32>
      %mul3A_145 = arith.mulf %mul3A_144, %div3A_129 : vector<16xf32>
      %swap3A = arith.constant 0 : i32
      %swap3A_146 = arith.index_cast %swap3A : i32 to index
      %swap3A_147 = arith.index_cast %mul3A_136 : i32 to index
      %swap3A_148 = tpu.vector_load %arg18[%swap3A_146, %swap3A_147] {strides = array<i32>} : memref<5x48xf32, #tpu.memory_space<vmem>>, vector<16xf32>,
      tpu.vector_store %arg18[%swap3A_146, %swap3A_147], %mul3A_139 {strides = array<i32>} : memref<5x48xf32, #tpu.memory_space<vmem>>, vector<16xf32>,
      %swap3A_149 = arith.constant 1 : i32
      %swap3A_150 = arith.index_cast %swap3A_149 : i32 to index
      %swap3A_151 = arith.index_cast %mul3A_136 : i32 to index
      %swap3A_152 = tpu.vector_load %arg18[%swap3A_150, %swap3A_151] {strides = array<i32>} : memref<5x48xf32, #tpu.memory_space<vmem>>, vector<16xf32>,
      tpu.vector_store %arg18[%swap3A_150, %swap3A_151], %mul3A_142 {strides = array<i32>} : memref<5x48xf32, #tpu.memory_space<vmem>>, vector<16xf32>,
      %swap3A_153 = arith.constant 2 : i32
      %swap3A_154 = arith.index_cast %swap3A_153 : i32 to index
      %swap3A_155 = arith.index_cast %mul3A_136 : i32 to index
      %swap3A_156 = tpu.vector_load %arg18[%swap3A_154, %swap3A_155] {strides = array<i32>} : memref<5x48xf32, #tpu.memory_space<vmem>>, vector<16xf32>,
      tpu.vector_store %arg18[%swap3A_154, %swap3A_155], %mul3A_145 {strides = array<i32>} : memref<5x48xf32, #tpu.memory_space<vmem>>, vector<16xf32>,
      %swap3A_157 = arith.constant 3 : i32
      %swap3A_158 = arith.index_cast %swap3A_157 : i32 to index
      %swap3A_159 = arith.index_cast %mul3A_136 : i32 to index
      %swap3A_160 = tpu.vector_load %arg18[%swap3A_158, %swap3A_159] {strides = array<i32>} : memref<5x48xf32, #tpu.memory_space<vmem>>, vector<16xf32>,
      tpu.vector_store %arg18[%swap3A_158, %swap3A_159], %add3A_134 {strides = array<i32>} : memref<5x48xf32, #tpu.memory_space<vmem>>, vector<16xf32>,
      %swap3A_161 = arith.constant 4 : i32
      %swap3A_162 = arith.index_cast %swap3A_161 : i32 to index
      %swap3A_163 = arith.index_cast %mul3A_136 : i32 to index
      %swap3A_164 = tpu.vector_load %arg18[%swap3A_162, %swap3A_163] {strides = array<i32>} : memref<5x48xf32, #tpu.memory_space<vmem>>, vector<16xf32>,
      tpu.vector_store %arg18[%swap3A_162, %swap3A_163], %broadcast_in_dim3A_7 {strides = array<i32>} : memref<5x48xf32, #tpu.memory_space<vmem>>, vector<16xf32>,
    }
    %scan3A_18 = arith.constant 3 : i32
    %scan3A_19 = arith.constant 0 : i32
    %scan3A_20 = arith.constant 0 : i32
    %scan3A_21 = arith.constant 12 : i32
    %scan3A_22 = arith.addi %scan3A_20, %scan3A_21 : i32
    %scan3A_23 = arith.constant 1 : i32
    scf.for %scan3A_31 = %scan3A_20 to %scan3A_22 step %scan3A_23  : i32 {
      %mul3A_32 = arith.constant 16 : i32
      %mul3A_33 = arith.muli %scan3A_31, %mul3A_32 : i32
      %mul3A_34 = arith.constant 16 : i32
      %mul3A_35 = arith.muli %scan3A_31, %mul3A_34 : i32
      %add3A_36 = vector.broadcast %mul3A_35 : i32 to vector<16xi32>
      %add3A_37 = arith.addi %add3A_36, %iota3A : vector<16xi32>
      %shift_right_logical3A = arith.constant 2 : i32
      %shift_right_logical3A_38 = vector.broadcast %shift_right_logical3A : i32 to vector<16xi32>
      %shift_right_logical3A_39 = arith.shrui %add3A_37, %shift_right_logical3A_38 : vector<16xi32>
      %mul3A_40 = arith.constant 3 : i32
      %mul3A_41 = vector.broadcast %mul3A_40 : i32 to vector<16xi32>
      %mul3A_42 = arith.muli %shift_right_logical3A_39, %mul3A_41 : vector<16xi32>
      %gather3A = tpu.vector_load_idx %arg14[%mul3A_42] : memref<144xi32, #tpu.memory_space<vmem>>[vector<16xi32>], vector<16xi32>,
      %mul3A_43 = arith.constant 3 : i32
      %mul3A_44 = vector.broadcast %mul3A_43 : i32 to vector<16xi32>
      %mul3A_45 = arith.muli %shift_right_logical3A_39, %mul3A_44 : vector<16xi32>
      %add3A_46 = arith.constant 1 : i32
      %add3A_47 = vector.broadcast %add3A_46 : i32 to vector<16xi32>
      %add3A_48 = arith.addi %mul3A_45, %add3A_47 : vector<16xi32>
      %gather3A_49 = tpu.vector_load_idx %arg14[%add3A_48] : memref<144xi32, #tpu.memory_space<vmem>>[vector<16xi32>], vector<16xi32>,
      %mul3A_50 = arith.constant 3 : i32
      %mul3A_51 = vector.broadcast %mul3A_50 : i32 to vector<16xi32>
      %mul3A_52 = arith.muli %shift_right_logical3A_39, %mul3A_51 : vector<16xi32>
      %add3A_53 = arith.constant 2 : i32
      %add3A_54 = vector.broadcast %add3A_53 : i32 to vector<16xi32>
      %add3A_55 = arith.addi %mul3A_52, %add3A_54 : vector<16xi32>
      %gather3A_56 = tpu.vector_load_idx %arg14[%add3A_55] : memref<144xi32, #tpu.memory_space<vmem>>[vector<16xi32>], vector<16xi32>,
      %mul3A_57 = arith.constant 3 : i32
      %mul3A_58 = vector.broadcast %mul3A_57 : i32 to vector<16xi32>
      %mul3A_59 = arith.muli %add3A_37, %mul3A_58 : vector<16xi32>
      %gather3A_60 = tpu.vector_load_idx %arg15[%mul3A_59] : memref<576xf32, #tpu.memory_space<vmem>>[vector<16xi32>], vector<16xf32>,
      %mul3A_61 = arith.constant 3 : i32
      %mul3A_62 = vector.broadcast %mul3A_61 : i32 to vector<16xi32>
      %mul3A_63 = arith.muli %add3A_37, %mul3A_62 : vector<16xi32>
      %add3A_64 = arith.constant 1 : i32
      %add3A_65 = vector.broadcast %add3A_64 : i32 to vector<16xi32>
      %add3A_66 = arith.addi %mul3A_63, %add3A_65 : vector<16xi32>
      %gather3A_67 = tpu.vector_load_idx %arg15[%add3A_66] : memref<576xf32, #tpu.memory_space<vmem>>[vector<16xi32>], vector<16xf32>,
      %mul3A_68 = arith.constant 3 : i32
      %mul3A_69 = vector.broadcast %mul3A_68 : i32 to vector<16xi32>
      %mul3A_70 = arith.muli %add3A_37, %mul3A_69 : vector<16xi32>
      %add3A_71 = arith.constant 2 : i32
      %add3A_72 = vector.broadcast %add3A_71 : i32 to vector<16xi32>
      %add3A_73 = arith.addi %mul3A_70, %add3A_72 : vector<16xi32>
      %gather3A_74 = tpu.vector_load_idx %arg15[%add3A_73] : memref<576xf32, #tpu.memory_space<vmem>>[vector<16xi32>], vector<16xf32>,
      %mul3A_75 = arith.constant 3 : i32
      %mul3A_76 = vector.broadcast %mul3A_75 : i32 to vector<16xi32>
      %mul3A_77 = arith.muli %gather3A, %mul3A_76 : vector<16xi32>
      %add3A_78 = arith.constant 0 : i32
      %add3A_79 = vector.broadcast %add3A_78 : i32 to vector<16xi32>
      %add3A_80 = arith.addi %mul3A_77, %add3A_79 : vector<16xi32>
      %gather3A_81 = tpu.vector_load_idx %arg12[%add3A_80] : memref<3000xf32, #tpu.memory_space<vmem>>[vector<16xi32>], vector<16xf32>,
      %mul3A_82 = arith.mulf %gather3A_60, %gather3A_81 : vector<16xf32>
      %mul3A_83 = arith.constant 3 : i32
      %mul3A_84 = vector.broadcast %mul3A_83 : i32 to vector<16xi32>
      %mul3A_85 = arith.muli %gather3A_49, %mul3A_84 : vector<16xi32>
      %add3A_86 = arith.constant 0 : i32
      %add3A_87 = vector.broadcast %add3A_86 : i32 to vector<16xi32>
      %add3A_88 = arith.addi %mul3A_85, %add3A_87 : vector<16xi32>
      %gather3A_89 = tpu.vector_load_idx %arg12[%add3A_88] : memref<3000xf32, #tpu.memory_space<vmem>>[vector<16xi32>], vector<16xf32>,
      %mul3A_90 = arith.mulf %gather3A_67, %gather3A_89 : vector<16xf32>
      %add3A_91 = arith.addf %mul3A_82, %mul3A_90 : vector<16xf32>
      %mul3A_92 = arith.constant 3 : i32
      %mul3A_93 = vector.broadcast %mul3A_92 : i32 to vector<16xi32>
      %mul3A_94 = arith.muli %gather3A_56, %mul3A_93 : vector<16xi32>
      %add3A_95 = arith.constant 0 : i32
      %add3A_96 = vector.broadcast %add3A_95 : i32 to vector<16xi32>
      %add3A_97 = arith.addi %mul3A_94, %add3A_96 : vector<16xi32>
      %gather3A_98 = tpu.vector_load_idx %arg12[%add3A_97] : memref<3000xf32, #tpu.memory_space<vmem>>[vector<16xi32>], vector<16xf32>,
      %mul3A_99 = arith.mulf %gather3A_74, %gather3A_98 : vector<16xf32>
      %add3A_100 = arith.addf %add3A_91, %mul3A_99 : vector<16xf32>
      %mul3A_101 = arith.constant 3 : i32
      %mul3A_102 = vector.broadcast %mul3A_101 : i32 to vector<16xi32>
      %mul3A_103 = arith.muli %gather3A, %mul3A_102 : vector<16xi32>
      %add3A_104 = arith.constant 1 : i32
      %add3A_105 = vector.broadcast %add3A_104 : i32 to vector<16xi32>
      %add3A_106 = arith.addi %mul3A_103, %add3A_105 : vector<16xi32>
      %gather3A_107 = tpu.vector_load_idx %arg12[%add3A_106] : memref<3000xf32, #tpu.memory_space<vmem>>[vector<16xi32>], vector<16xf32>,
      %mul3A_108 = arith.mulf %gather3A_60, %gather3A_107 : vector<16xf32>
      %mul3A_109 = arith.constant 3 : i32
      %mul3A_110 = vector.broadcast %mul3A_109 : i32 to vector<16xi32>
      %mul3A_111 = arith.muli %gather3A_49, %mul3A_110 : vector<16xi32>
      %add3A_112 = arith.constant 1 : i32
      %add3A_113 = vector.broadcast %add3A_112 : i32 to vector<16xi32>
      %add3A_114 = arith.addi %mul3A_111, %add3A_113 : vector<16xi32>
      %gather3A_115 = tpu.vector_load_idx %arg12[%add3A_114] : memref<3000xf32, #tpu.memory_space<vmem>>[vector<16xi32>], vector<16xf32>,
      %mul3A_116 = arith.mulf %gather3A_67, %gather3A_115 : vector<16xf32>
      %add3A_117 = arith.addf %mul3A_108, %mul3A_116 : vector<16xf32>
      %mul3A_118 = arith.constant 3 : i32
      %mul3A_119 = vector.broadcast %mul3A_118 : i32 to vector<16xi32>
      %mul3A_120 = arith.muli %gather3A_56, %mul3A_119 : vector<16xi32>
      %add3A_121 = arith.constant 1 : i32
      %add3A_122 = vector.broadcast %add3A_121 : i32 to vector<16xi32>
      %add3A_123 = arith.addi %mul3A_120, %add3A_122 : vector<16xi32>
      %gather3A_124 = tpu.vector_load_idx %arg12[%add3A_123] : memref<3000xf32, #tpu.memory_space<vmem>>[vector<16xi32>], vector<16xf32>,
      %mul3A_125 = arith.mulf %gather3A_74, %gather3A_124 : vector<16xf32>
      %add3A_126 = arith.addf %add3A_117, %mul3A_125 : vector<16xf32>
      %mul3A_127 = arith.constant 3 : i32
      %mul3A_128 = vector.broadcast %mul3A_127 : i32 to vector<16xi32>
      %mul3A_129 = arith.muli %gather3A, %mul3A_128 : vector<16xi32>
      %add3A_130 = arith.constant 2 : i32
      %add3A_131 = vector.broadcast %add3A_130 : i32 to vector<16xi32>
      %add3A_132 = arith.addi %mul3A_129, %add3A_131 : vector<16xi32>
      %gather3A_133 = tpu.vector_load_idx %arg12[%add3A_132] : memref<3000xf32, #tpu.memory_space<vmem>>[vector<16xi32>], vector<16xf32>,
      %mul3A_134 = arith.mulf %gather3A_60, %gather3A_133 : vector<16xf32>
      %mul3A_135 = arith.constant 3 : i32
      %mul3A_136 = vector.broadcast %mul3A_135 : i32 to vector<16xi32>
      %mul3A_137 = arith.muli %gather3A_49, %mul3A_136 : vector<16xi32>
      %add3A_138 = arith.constant 2 : i32
      %add3A_139 = vector.broadcast %add3A_138 : i32 to vector<16xi32>
      %add3A_140 = arith.addi %mul3A_137, %add3A_139 : vector<16xi32>
      %gather3A_141 = tpu.vector_load_idx %arg12[%add3A_140] : memref<3000xf32, #tpu.memory_space<vmem>>[vector<16xi32>], vector<16xf32>,
      %mul3A_142 = arith.mulf %gather3A_67, %gather3A_141 : vector<16xf32>
      %add3A_143 = arith.addf %mul3A_134, %mul3A_142 : vector<16xf32>
      %mul3A_144 = arith.constant 3 : i32
      %mul3A_145 = vector.broadcast %mul3A_144 : i32 to vector<16xi32>
      %mul3A_146 = arith.muli %gather3A_56, %mul3A_145 : vector<16xi32>
      %add3A_147 = arith.constant 2 : i32
      %add3A_148 = vector.broadcast %add3A_147 : i32 to vector<16xi32>
      %add3A_149 = arith.addi %mul3A_146, %add3A_148 : vector<16xi32>
      %gather3A_150 = tpu.vector_load_idx %arg12[%add3A_149] : memref<3000xf32, #tpu.memory_space<vmem>>[vector<16xi32>], vector<16xf32>,
      %mul3A_151 = arith.mulf %gather3A_74, %gather3A_150 : vector<16xf32>
      %add3A_152 = arith.addf %add3A_143, %mul3A_151 : vector<16xf32>
      %mul3A_153 = arith.mulf %add3A_100, %add3A_100 : vector<16xf32>
      %mul3A_154 = arith.mulf %add3A_126, %add3A_126 : vector<16xf32>
      %add3A_155 = arith.addf %mul3A_153, %mul3A_154 : vector<16xf32>
      %mul3A_156 = arith.mulf %add3A_152, %add3A_152 : vector<16xf32>
      %add3A_157 = arith.addf %add3A_155, %mul3A_156 : vector<16xf32>
      %mul3A_158 = arith.constant -2.000000e+00 : f32
      %mul3A_159 = vector.broadcast %mul3A_158 : f32 to vector<16xf32>
      %mul3A_160 = arith.mulf %mul3A_159, %add3A_100 : vector<16xf32>
      %mul3A_161 = arith.constant -2.000000e+00 : f32
      %mul3A_162 = vector.broadcast %mul3A_161 : f32 to vector<16xf32>
      %mul3A_163 = arith.mulf %mul3A_162, %add3A_126 : vector<16xf32>
      %mul3A_164 = arith.constant -2.000000e+00 : f32
      %mul3A_165 = vector.broadcast %mul3A_164 : f32 to vector<16xf32>
      %mul3A_166 = arith.mulf %mul3A_165, %add3A_152 : vector<16xf32>
      %swap3A = arith.constant 0 : i32
      %swap3A_167 = arith.index_cast %swap3A : i32 to index
      %swap3A_168 = arith.index_cast %mul3A_33 : i32 to index
      %swap3A_169 = tpu.vector_load %arg19[%swap3A_167, %swap3A_168] {strides = array<i32>} : memref<5x192xf32, #tpu.memory_space<vmem>>, vector<16xf32>,
      tpu.vector_store %arg19[%swap3A_167, %swap3A_168], %mul3A_160 {strides = array<i32>} : memref<5x192xf32, #tpu.memory_space<vmem>>, vector<16xf32>,
      %swap3A_170 = arith.constant 1 : i32
      %swap3A_171 = arith.index_cast %swap3A_170 : i32 to index
      %swap3A_172 = arith.index_cast %mul3A_33 : i32 to index
      %swap3A_173 = tpu.vector_load %arg19[%swap3A_171, %swap3A_172] {strides = array<i32>} : memref<5x192xf32, #tpu.memory_space<vmem>>, vector<16xf32>,
      tpu.vector_store %arg19[%swap3A_171, %swap3A_172], %mul3A_163 {strides = array<i32>} : memref<5x192xf32, #tpu.memory_space<vmem>>, vector<16xf32>,
      %swap3A_174 = arith.constant 2 : i32
      %swap3A_175 = arith.index_cast %swap3A_174 : i32 to index
      %swap3A_176 = arith.index_cast %mul3A_33 : i32 to index
      %swap3A_177 = tpu.vector_load %arg19[%swap3A_175, %swap3A_176] {strides = array<i32>} : memref<5x192xf32, #tpu.memory_space<vmem>>, vector<16xf32>,
      tpu.vector_store %arg19[%swap3A_175, %swap3A_176], %mul3A_166 {strides = array<i32>} : memref<5x192xf32, #tpu.memory_space<vmem>>, vector<16xf32>,
      %swap3A_178 = arith.constant 3 : i32
      %swap3A_179 = arith.index_cast %swap3A_178 : i32 to index
      %swap3A_180 = arith.index_cast %mul3A_33 : i32 to index
      %swap3A_181 = tpu.vector_load %arg19[%swap3A_179, %swap3A_180] {strides = array<i32>} : memref<5x192xf32, #tpu.memory_space<vmem>>, vector<16xf32>,
      tpu.vector_store %arg19[%swap3A_179, %swap3A_180], %add3A_157 {strides = array<i32>} : memref<5x192xf32, #tpu.memory_space<vmem>>, vector<16xf32>,
      %swap3A_182 = arith.constant 4 : i32
      %swap3A_183 = arith.index_cast %swap3A_182 : i32 to index
      %swap3A_184 = arith.index_cast %mul3A_33 : i32 to index
      %swap3A_185 = tpu.vector_load %arg19[%swap3A_183, %swap3A_184] {strides = array<i32>} : memref<5x192xf32, #tpu.memory_space<vmem>>, vector<16xf32>,
      tpu.vector_store %arg19[%swap3A_183, %swap3A_184], %broadcast_in_dim3A_7 {strides = array<i32>} : memref<5x192xf32, #tpu.memory_space<vmem>>, vector<16xf32>,
    }
    %scan3A_24 = arith.constant 12 : i32
    %scan3A_25 = arith.constant 0 : i32
    %scan3A_26 = arith.constant 0 : i32
    %scan3A_27 = arith.constant 20 : i32
    %scan3A_28 = arith.addi %scan3A_26, %scan3A_27 : i32
    %scan3A_29 = arith.constant 1 : i32
    scf.for %scan3A_31 = %scan3A_26 to %scan3A_28 step %scan3A_29  : i32 {
      %mul3A_32 = arith.constant 16 : i32
      %mul3A_33 = arith.muli %scan3A_31, %mul3A_32 : i32
      %mul3A_34 = arith.constant 320 : i32
      %mul3A_35 = arith.muli %add3A, %mul3A_34 : i32
      %mul3A_36 = arith.constant 16 : i32
      %mul3A_37 = arith.muli %scan3A_31, %mul3A_36 : i32
      %add3A_38 = arith.addi %mul3A_35, %mul3A_37 : i32
      %add3A_39 = vector.broadcast %add3A_38 : i32 to vector<16xi32>
      %add3A_40 = arith.addi %add3A_39, %iota3A : vector<16xi32>
      %min3A = arith.constant 9999 : i32
      %min3A_41 = vector.broadcast %min3A : i32 to vector<16xi32>
      %min3A_42 = arith.minsi %add3A_40, %min3A_41 : vector<16xi32>
      %mul3A_43 = arith.constant 3 : i32
      %mul3A_44 = vector.broadcast %mul3A_43 : i32 to vector<16xi32>
      %mul3A_45 = arith.muli %min3A_42, %mul3A_44 : vector<16xi32>
      %add3A_46 = arith.constant 0 : i32
      %add3A_47 = vector.broadcast %add3A_46 : i32 to vector<16xi32>
      %add3A_48 = arith.addi %mul3A_45, %add3A_47 : vector<16xi32>
      %gather3A = tpu.vector_load_idx %arg11[%add3A_48] : memref<30000xf32, #tpu.memory_space<vmem>>[vector<16xi32>], vector<16xf32>,
      %mul3A_49 = arith.constant 3 : i32
      %mul3A_50 = vector.broadcast %mul3A_49 : i32 to vector<16xi32>
      %mul3A_51 = arith.muli %min3A_42, %mul3A_50 : vector<16xi32>
      %add3A_52 = arith.constant 1 : i32
      %add3A_53 = vector.broadcast %add3A_52 : i32 to vector<16xi32>
      %add3A_54 = arith.addi %mul3A_51, %add3A_53 : vector<16xi32>
      %gather3A_55 = tpu.vector_load_idx %arg11[%add3A_54] : memref<30000xf32, #tpu.memory_space<vmem>>[vector<16xi32>], vector<16xf32>,
      %mul3A_56 = arith.constant 3 : i32
      %mul3A_57 = vector.broadcast %mul3A_56 : i32 to vector<16xi32>
      %mul3A_58 = arith.muli %min3A_42, %mul3A_57 : vector<16xi32>
      %add3A_59 = arith.constant 2 : i32
      %add3A_60 = vector.broadcast %add3A_59 : i32 to vector<16xi32>
      %add3A_61 = arith.addi %mul3A_58, %add3A_60 : vector<16xi32>
      %gather3A_62 = tpu.vector_load_idx %arg11[%add3A_61] : memref<30000xf32, #tpu.memory_space<vmem>>[vector<16xi32>], vector<16xf32>,
      %mul3A_63 = arith.mulf %gather3A, %gather3A : vector<16xf32>
      %mul3A_64 = arith.mulf %gather3A_55, %gather3A_55 : vector<16xf32>
      %add3A_65 = arith.addf %mul3A_63, %mul3A_64 : vector<16xf32>
      %mul3A_66 = arith.mulf %gather3A_62, %gather3A_62 : vector<16xf32>
      %add3A_67 = arith.addf %add3A_65, %mul3A_66 : vector<16xf32>
      %swap3A = arith.constant 0 : i32
      %swap3A_68 = arith.index_cast %swap3A : i32 to index
      %swap3A_69 = arith.index_cast %mul3A_33 : i32 to index
      %swap3A_70 = tpu.vector_load %arg17[%swap3A_68, %swap3A_69] {strides = array<i32>} : memref<5x320xf32, #tpu.memory_space<vmem>>, vector<16xf32>,
      tpu.vector_store %arg17[%swap3A_68, %swap3A_69], %gather3A {strides = array<i32>} : memref<5x320xf32, #tpu.memory_space<vmem>>, vector<16xf32>,
      %swap3A_71 = arith.constant 1 : i32
      %swap3A_72 = arith.index_cast %swap3A_71 : i32 to index
      %swap3A_73 = arith.index_cast %mul3A_33 : i32 to index
      %swap3A_74 = tpu.vector_load %arg17[%swap3A_72, %swap3A_73] {strides = array<i32>} : memref<5x320xf32, #tpu.memory_space<vmem>>, vector<16xf32>,
      tpu.vector_store %arg17[%swap3A_72, %swap3A_73], %gather3A_55 {strides = array<i32>} : memref<5x320xf32, #tpu.memory_space<vmem>>, vector<16xf32>,
      %swap3A_75 = arith.constant 2 : i32
      %swap3A_76 = arith.index_cast %swap3A_75 : i32 to index
      %swap3A_77 = arith.index_cast %mul3A_33 : i32 to index
      %swap3A_78 = tpu.vector_load %arg17[%swap3A_76, %swap3A_77] {strides = array<i32>} : memref<5x320xf32, #tpu.memory_space<vmem>>, vector<16xf32>,
      tpu.vector_store %arg17[%swap3A_76, %swap3A_77], %gather3A_62 {strides = array<i32>} : memref<5x320xf32, #tpu.memory_space<vmem>>, vector<16xf32>,
      %swap3A_79 = arith.constant 3 : i32
      %swap3A_80 = arith.index_cast %swap3A_79 : i32 to index
      %swap3A_81 = arith.index_cast %mul3A_33 : i32 to index
      %swap3A_82 = tpu.vector_load %arg17[%swap3A_80, %swap3A_81] {strides = array<i32>} : memref<5x320xf32, #tpu.memory_space<vmem>>, vector<16xf32>,
      tpu.vector_store %arg17[%swap3A_80, %swap3A_81], %broadcast_in_dim3A_7 {strides = array<i32>} : memref<5x320xf32, #tpu.memory_space<vmem>>, vector<16xf32>,
      %swap3A_83 = arith.constant 4 : i32
      %swap3A_84 = arith.index_cast %swap3A_83 : i32 to index
      %swap3A_85 = arith.index_cast %mul3A_33 : i32 to index
      %swap3A_86 = tpu.vector_load %arg17[%swap3A_84, %swap3A_85] {strides = array<i32>} : memref<5x320xf32, #tpu.memory_space<vmem>>, vector<16xf32>,
      tpu.vector_store %arg17[%swap3A_84, %swap3A_85], %add3A_67 {strides = array<i32>} : memref<5x320xf32, #tpu.memory_space<vmem>>, vector<16xf32>,
    }
    %scan3A_30 = arith.constant 20 : i32
    "tpu.region"() ({
      %run_scoped3A = tpu.sem_alloc : memref<!tpu.dma_semaphore, #tpu.memory_space<semaphore_mem>>
      %dma_start3A = arith.constant 0 : i32
      %dma_start3A_31 = arith.constant 0 : i32
      %dma_start3A_32 = tpu.memref_slice %arg7[%add3A, %dma_start3A, %dma_start3A_31] : memref<32x5x640xf32, #tpu.memory_space<hbm>> -> memref<1x5x640xf32, #tpu.memory_space<hbm>>
      %dma_start3A_33 = tpu.memref_squeeze %dma_start3A_32 : memref<1x5x640xf32, #tpu.memory_space<hbm>> -> memref<5x640xf32, #tpu.memory_space<hbm>>
      %dma_start3A_34 = arith.constant 0 : i32
      %dma_start3A_35 = arith.constant 0 : i32
      %dma_start3A_36 = tpu.memref_slice %arg7[%add3A, %dma_start3A_34, %dma_start3A_35] : memref<32x5x640xf32, #tpu.memory_space<hbm>> -> memref<1x5x640xf32, #tpu.memory_space<hbm>>
      %dma_start3A_37 = tpu.memref_squeeze %dma_start3A_36 : memref<1x5x640xf32, #tpu.memory_space<hbm>> -> memref<5x640xf32, #tpu.memory_space<hbm>>
      tpu.enqueue_dma source(%arg16 : memref<5x640xf32, #tpu.memory_space<vmem>>) target(%dma_start3A_37 : memref<5x640xf32, #tpu.memory_space<hbm>>) target_semaphore(%run_scoped3A : memref<!tpu.dma_semaphore, #tpu.memory_space<semaphore_mem>>)
      %dma_wait3A = arith.constant 0 : i32
      %dma_wait3A_38 = arith.constant 0 : i32
      %dma_wait3A_39 = tpu.memref_slice %arg7[%add3A, %dma_wait3A, %dma_wait3A_38] : memref<32x5x640xf32, #tpu.memory_space<hbm>> -> memref<1x5x640xf32, #tpu.memory_space<hbm>>
      %dma_wait3A_40 = tpu.memref_squeeze %dma_wait3A_39 : memref<1x5x640xf32, #tpu.memory_space<hbm>> -> memref<5x640xf32, #tpu.memory_space<hbm>>
      %dma_wait3A_41 = arith.constant 0 : i32
      %dma_wait3A_42 = arith.constant 0 : i32
      %dma_wait3A_43 = tpu.memref_slice %arg7[%add3A, %dma_wait3A_41, %dma_wait3A_42] : memref<32x5x640xf32, #tpu.memory_space<hbm>> -> memref<1x5x640xf32, #tpu.memory_space<hbm>>
      %dma_wait3A_44 = tpu.memref_squeeze %dma_wait3A_43 : memref<1x5x640xf32, #tpu.memory_space<hbm>> -> memref<5x640xf32, #tpu.memory_space<hbm>>
      tpu.wait_dma2 semaphore(%run_scoped3A : memref<!tpu.dma_semaphore, #tpu.memory_space<semaphore_mem>>) src(%arg16 : memref<5x640xf32, #tpu.memory_space<vmem>>) dst(%dma_wait3A_44 : memref<5x640xf32, #tpu.memory_space<hbm>>)
      tpu.yield
    }) : () -> ()
    "tpu.region"() ({
      %run_scoped3A = tpu.sem_alloc : memref<!tpu.dma_semaphore, #tpu.memory_space<semaphore_mem>>
      %dma_start3A = arith.constant 0 : i32
      %dma_start3A_31 = arith.constant 0 : i32
      %dma_start3A_32 = tpu.memref_slice %arg8[%add3A, %dma_start3A, %dma_start3A_31] : memref<32x5x320xf32, #tpu.memory_space<hbm>> -> memref<1x5x320xf32, #tpu.memory_space<hbm>>
      %dma_start3A_33 = tpu.memref_squeeze %dma_start3A_32 : memref<1x5x320xf32, #tpu.memory_space<hbm>> -> memref<5x320xf32, #tpu.memory_space<hbm>>
      %dma_start3A_34 = arith.constant 0 : i32
      %dma_start3A_35 = arith.constant 0 : i32
      %dma_start3A_36 = tpu.memref_slice %arg8[%add3A, %dma_start3A_34, %dma_start3A_35] : memref<32x5x320xf32, #tpu.memory_space<hbm>> -> memref<1x5x320xf32, #tpu.memory_space<hbm>>
      %dma_start3A_37 = tpu.memref_squeeze %dma_start3A_36 : memref<1x5x320xf32, #tpu.memory_space<hbm>> -> memref<5x320xf32, #tpu.memory_space<hbm>>
      tpu.enqueue_dma source(%arg17 : memref<5x320xf32, #tpu.memory_space<vmem>>) target(%dma_start3A_37 : memref<5x320xf32, #tpu.memory_space<hbm>>) target_semaphore(%run_scoped3A : memref<!tpu.dma_semaphore, #tpu.memory_space<semaphore_mem>>)
      %dma_wait3A = arith.constant 0 : i32
      %dma_wait3A_38 = arith.constant 0 : i32
      %dma_wait3A_39 = tpu.memref_slice %arg8[%add3A, %dma_wait3A, %dma_wait3A_38] : memref<32x5x320xf32, #tpu.memory_space<hbm>> -> memref<1x5x320xf32, #tpu.memory_space<hbm>>
      %dma_wait3A_40 = tpu.memref_squeeze %dma_wait3A_39 : memref<1x5x320xf32, #tpu.memory_space<hbm>> -> memref<5x320xf32, #tpu.memory_space<hbm>>
      %dma_wait3A_41 = arith.constant 0 : i32
      %dma_wait3A_42 = arith.constant 0 : i32
      %dma_wait3A_43 = tpu.memref_slice %arg8[%add3A, %dma_wait3A_41, %dma_wait3A_42] : memref<32x5x320xf32, #tpu.memory_space<hbm>> -> memref<1x5x320xf32, #tpu.memory_space<hbm>>
      %dma_wait3A_44 = tpu.memref_squeeze %dma_wait3A_43 : memref<1x5x320xf32, #tpu.memory_space<hbm>> -> memref<5x320xf32, #tpu.memory_space<hbm>>
      tpu.wait_dma2 semaphore(%run_scoped3A : memref<!tpu.dma_semaphore, #tpu.memory_space<semaphore_mem>>) src(%arg17 : memref<5x320xf32, #tpu.memory_space<vmem>>) dst(%dma_wait3A_44 : memref<5x320xf32, #tpu.memory_space<hbm>>)
      tpu.yield
    }) : () -> ()
    "tpu.region"() ({
      %run_scoped3A = tpu.sem_alloc : memref<!tpu.dma_semaphore, #tpu.memory_space<semaphore_mem>>
      %dma_start3A = arith.constant 0 : i32
      %dma_start3A_31 = arith.constant 0 : i32
      %dma_start3A_32 = tpu.memref_slice %arg9[%add3A, %dma_start3A, %dma_start3A_31] : memref<32x5x48xf32, #tpu.memory_space<hbm>> -> memref<1x5x48xf32, #tpu.memory_space<hbm>>
      %dma_start3A_33 = tpu.memref_squeeze %dma_start3A_32 : memref<1x5x48xf32, #tpu.memory_space<hbm>> -> memref<5x48xf32, #tpu.memory_space<hbm>>
      %dma_start3A_34 = arith.constant 0 : i32
      %dma_start3A_35 = arith.constant 0 : i32
      %dma_start3A_36 = tpu.memref_slice %arg9[%add3A, %dma_start3A_34, %dma_start3A_35] : memref<32x5x48xf32, #tpu.memory_space<hbm>> -> memref<1x5x48xf32, #tpu.memory_space<hbm>>
      %dma_start3A_37 = tpu.memref_squeeze %dma_start3A_36 : memref<1x5x48xf32, #tpu.memory_space<hbm>> -> memref<5x48xf32, #tpu.memory_space<hbm>>
      tpu.enqueue_dma source(%arg18 : memref<5x48xf32, #tpu.memory_space<vmem>>) target(%dma_start3A_37 : memref<5x48xf32, #tpu.memory_space<hbm>>) target_semaphore(%run_scoped3A : memref<!tpu.dma_semaphore, #tpu.memory_space<semaphore_mem>>)
      %dma_wait3A = arith.constant 0 : i32
      %dma_wait3A_38 = arith.constant 0 : i32
      %dma_wait3A_39 = tpu.memref_slice %arg9[%add3A, %dma_wait3A, %dma_wait3A_38] : memref<32x5x48xf32, #tpu.memory_space<hbm>> -> memref<1x5x48xf32, #tpu.memory_space<hbm>>
      %dma_wait3A_40 = tpu.memref_squeeze %dma_wait3A_39 : memref<1x5x48xf32, #tpu.memory_space<hbm>> -> memref<5x48xf32, #tpu.memory_space<hbm>>
      %dma_wait3A_41 = arith.constant 0 : i32
      %dma_wait3A_42 = arith.constant 0 : i32
      %dma_wait3A_43 = tpu.memref_slice %arg9[%add3A, %dma_wait3A_41, %dma_wait3A_42] : memref<32x5x48xf32, #tpu.memory_space<hbm>> -> memref<1x5x48xf32, #tpu.memory_space<hbm>>
      %dma_wait3A_44 = tpu.memref_squeeze %dma_wait3A_43 : memref<1x5x48xf32, #tpu.memory_space<hbm>> -> memref<5x48xf32, #tpu.memory_space<hbm>>
      tpu.wait_dma2 semaphore(%run_scoped3A : memref<!tpu.dma_semaphore, #tpu.memory_space<semaphore_mem>>) src(%arg18 : memref<5x48xf32, #tpu.memory_space<vmem>>) dst(%dma_wait3A_44 : memref<5x48xf32, #tpu.memory_space<hbm>>)
      tpu.yield
    }) : () -> ()
    "tpu.region"() ({
      %run_scoped3A = tpu.sem_alloc : memref<!tpu.dma_semaphore, #tpu.memory_space<semaphore_mem>>
      %dma_start3A = arith.constant 0 : i32
      %dma_start3A_31 = arith.constant 0 : i32
      %dma_start3A_32 = tpu.memref_slice %arg10[%add3A, %dma_start3A, %dma_start3A_31] : memref<32x5x192xf32, #tpu.memory_space<hbm>> -> memref<1x5x192xf32, #tpu.memory_space<hbm>>
      %dma_start3A_33 = tpu.memref_squeeze %dma_start3A_32 : memref<1x5x192xf32, #tpu.memory_space<hbm>> -> memref<5x192xf32, #tpu.memory_space<hbm>>
      %dma_start3A_34 = arith.constant 0 : i32
      %dma_start3A_35 = arith.constant 0 : i32
      %dma_start3A_36 = tpu.memref_slice %arg10[%add3A, %dma_start3A_34, %dma_start3A_35] : memref<32x5x192xf32, #tpu.memory_space<hbm>> -> memref<1x5x192xf32, #tpu.memory_space<hbm>>
      %dma_start3A_37 = tpu.memref_squeeze %dma_start3A_36 : memref<1x5x192xf32, #tpu.memory_space<hbm>> -> memref<5x192xf32, #tpu.memory_space<hbm>>
      tpu.enqueue_dma source(%arg19 : memref<5x192xf32, #tpu.memory_space<vmem>>) target(%dma_start3A_37 : memref<5x192xf32, #tpu.memory_space<hbm>>) target_semaphore(%run_scoped3A : memref<!tpu.dma_semaphore, #tpu.memory_space<semaphore_mem>>)
      %dma_wait3A = arith.constant 0 : i32
      %dma_wait3A_38 = arith.constant 0 : i32
      %dma_wait3A_39 = tpu.memref_slice %arg10[%add3A, %dma_wait3A, %dma_wait3A_38] : memref<32x5x192xf32, #tpu.memory_space<hbm>> -> memref<1x5x192xf32, #tpu.memory_space<hbm>>
      %dma_wait3A_40 = tpu.memref_squeeze %dma_wait3A_39 : memref<1x5x192xf32, #tpu.memory_space<hbm>> -> memref<5x192xf32, #tpu.memory_space<hbm>>
      %dma_wait3A_41 = arith.constant 0 : i32
      %dma_wait3A_42 = arith.constant 0 : i32
      %dma_wait3A_43 = tpu.memref_slice %arg10[%add3A, %dma_wait3A_41, %dma_wait3A_42] : memref<32x5x192xf32, #tpu.memory_space<hbm>> -> memref<1x5x192xf32, #tpu.memory_space<hbm>>
      %dma_wait3A_44 = tpu.memref_squeeze %dma_wait3A_43 : memref<1x5x192xf32, #tpu.memory_space<hbm>> -> memref<5x192xf32, #tpu.memory_space<hbm>>
      tpu.wait_dma2 semaphore(%run_scoped3A : memref<!tpu.dma_semaphore, #tpu.memory_space<semaphore_mem>>) src(%arg19 : memref<5x192xf32, #tpu.memory_space<vmem>>) dst(%dma_wait3A_44 : memref<5x192xf32, #tpu.memory_space<hbm>>)
      tpu.yield
    }) : () -> ()
    return
  }
}

module attributes {stable_mosaic.version = 14 : i64} {
  func.func @_tc_body(%arg0: i32, %arg1: memref<1536x5xf32, #tpu.memory_space<vmem>>, %arg2: memref<5x20480xf32, #tpu.memory_space<vmem>>, %arg3: memref<6144x5xf32, #tpu.memory_space<vmem>>, %arg4: memref<5x10240xf32, #tpu.memory_space<vmem>>, %arg5: memref<1x1536xf32, #tpu.memory_space<vmem>>, %arg6: memref<1x6144xf32, #tpu.memory_space<vmem>>, %arg7: memref<1x1xf32, #tpu.memory_space<smem>>, %arg8: memref<3xf32, #tpu.memory_space<smem>>, %arg9: memref<512x2048xf32, #tpu.memory_space<vmem>>) attributes {dimension_semantics = [#tpu.dimension_semantics<arbitrary>], iteration_bounds = array<i64: 15>, scalar_prefetch = 0 : i64, scratch_operands = 2 : i64, tpu.core_type = #tpu.core_type<tc>, window_params = [{pipeline_mode = #tpu.pipeline_mode<synchronous>, transform_indices = @transform_0, window_bounds = array<i64: 1536, 5>}, {pipeline_mode = #tpu.pipeline_mode<synchronous>, transform_indices = @transform_1, window_bounds = array<i64: 5, 20480>}, {pipeline_mode = #tpu.pipeline_mode<synchronous>, transform_indices = @transform_2, window_bounds = array<i64: 6144, 5>}, {pipeline_mode = #tpu.pipeline_mode<synchronous>, transform_indices = @transform_3, window_bounds = array<i64: 5, 10240>}, {pipeline_mode = #tpu.pipeline_mode<synchronous>, transform_indices = @transform_4, window_bounds = array<i64: 1, 1536>}, {pipeline_mode = #tpu.pipeline_mode<synchronous>, transform_indices = @transform_5, window_bounds = array<i64: 1, 6144>}, {transform_indices = @transform_6, window_bounds = array<i64: 1, 1>}]} {
    %eq3A = arith.constant 0 : i32
    %eq3A_0 = arith.cmpi eq, %arg0, %eq3A : i32
    %convert_element_type3A = arith.extui %eq3A_0 : i1 to i32
    %cond3A = arith.constant 0 : i32
    %cond3A_1 = arith.cmpi ne, %convert_element_type3A, %cond3A : i32
    scf.if %cond3A_1 {
      %get3A = arith.constant 0 : index
      %get3A_15 = arith.constant 0 : index
      %get3A_16 = vector.load %arg5[%get3A, %get3A_15] : memref<1x1536xf32, #tpu.memory_space<vmem>>, vector<1x1536xf32>
      %reduce_sum3A = vector.shape_cast %get3A_16 : vector<1x1536xf32> to vector<1x1x1536xf32>
      %reduce_sum3A_17 = arith.constant dense<0.000000e+00> : vector<1xf32>
      %reduce_sum3A_18 = vector.multi_reduction <add>, %reduce_sum3A, %reduce_sum3A_17 [1, 2] : vector<1x1x1536xf32> to vector<1xf32>
      %reduce_sum3A_19 = vector.shape_cast %reduce_sum3A_18 : vector<1xf32> to vector<1x1x1xf32>
      %reduce_sum3A_20 = vector.extract %reduce_sum3A_19[0, 0, 0] : f32 from vector<1x1x1xf32>
      %sub3A = arith.constant 1.500000e+03 : f32
      %sub3A_21 = arith.subf %sub3A, %reduce_sum3A_20 : f32
      %mul3A = arith.constant 9.99999974E-5 : f32
      %mul3A_22 = arith.mulf %mul3A, %sub3A_21 : f32
      %swap3A = arith.constant 0 : index
      %swap3A_23 = memref.load %arg8[%swap3A] : memref<3xf32, #tpu.memory_space<smem>>
      memref.store %mul3A_22, %arg8[%swap3A] : memref<3xf32, #tpu.memory_space<smem>>
      %swap3A_24 = arith.constant 0.000000e+00 : f32
      %swap3A_25 = arith.constant 1 : index
      %swap3A_26 = memref.load %arg8[%swap3A_25] : memref<3xf32, #tpu.memory_space<smem>>
      memref.store %swap3A_24, %arg8[%swap3A_25] : memref<3xf32, #tpu.memory_space<smem>>
      %swap3A_27 = arith.constant 0.000000e+00 : f32
      %swap3A_28 = arith.constant 2 : index
      %swap3A_29 = memref.load %arg8[%swap3A_28] : memref<3xf32, #tpu.memory_space<smem>>
      memref.store %swap3A_27, %arg8[%swap3A_28] : memref<3xf32, #tpu.memory_space<smem>>
    } else {
    }
    %lt3A = arith.constant 3 : i32
    %lt3A_2 = arith.cmpi slt, %arg0, %lt3A : i32
    %convert_element_type3A_3 = arith.extui %lt3A_2 : i1 to i32
    %cond3A_4 = arith.constant 0 : i32
    %cond3A_5 = arith.cmpi ne, %convert_element_type3A_3, %cond3A_4 : i32
    scf.if %cond3A_5 {
      %mul3A = arith.constant 512 : i32
      %mul3A_15 = arith.muli %arg0, %mul3A : i32
      %multiple_of3A = tpu.assume_multiple %mul3A_15, 512 : i32
      %get3A = arith.index_cast %multiple_of3A : i32 to index
      %get3A_16 = arith.constant 0 : index
      %get3A_17 = vector.load %arg1[%get3A, %get3A_16] : memref<1536x5xf32, #tpu.memory_space<vmem>>, vector<512x3xf32>
      %get3A_18 = arith.constant 0 : index
      %get3A_19 = arith.constant 0 : index
      %get3A_20 = vector.load %arg2[%get3A_18, %get3A_19] : memref<5x20480xf32, #tpu.memory_space<vmem>>, vector<3x2048xf32>
      %dot_general3A = arith.constant dense<0.000000e+00> : vector<512x2048xf32>
      %dot_general3A_21 = tpu.matmul %get3A_17, %get3A_20, %dot_general3A {dimension_numbers = #tpu.dot_dimension_numbers<[1], [0], [0], [1], [0, 0, 1, 1], [], []>, transpose_lhs_hint = false} : vector<512x3xf32>, vector<3x2048xf32>, vector<512x2048xf32> -> vector<512x2048xf32>
      %get3A_22 = arith.constant 4 : index
      %get3A_23 = arith.constant 0 : index
      %get3A_24 = vector.load %arg2[%get3A_22, %get3A_23] : memref<5x20480xf32, #tpu.memory_space<vmem>>, vector<1x2048xf32>
      %add3A = vector.broadcast %get3A_24 : vector<1x2048xf32> to vector<512x2048xf32>
      %add3A_25 = arith.addf %add3A, %dot_general3A_21 : vector<512x2048xf32>
      %swap3A = arith.constant 0 : index
      %swap3A_26 = arith.constant 0 : index
      %swap3A_27 = vector.load %arg9[%swap3A, %swap3A_26] : memref<512x2048xf32, #tpu.memory_space<vmem>>, vector<512x2048xf32>
      tpu.vector_store %arg9[%swap3A, %swap3A_26], %add3A_25 {strides = array<i32>} : memref<512x2048xf32, #tpu.memory_space<vmem>>, vector<512x2048xf32>,
      %get3A_28 = arith.constant 0 : index
      %get3A_29 = arith.constant 2048 : index
      %get3A_30 = vector.load %arg2[%get3A_28, %get3A_29] : memref<5x20480xf32, #tpu.memory_space<vmem>>, vector<3x2048xf32>
      %dot_general3A_31 = arith.constant dense<0.000000e+00> : vector<512x2048xf32>
      %dot_general3A_32 = tpu.matmul %get3A_17, %get3A_30, %dot_general3A_31 {dimension_numbers = #tpu.dot_dimension_numbers<[1], [0], [0], [1], [0, 0, 1, 1], [], []>, transpose_lhs_hint = false} : vector<512x3xf32>, vector<3x2048xf32>, vector<512x2048xf32> -> vector<512x2048xf32>
      %get3A_33 = arith.constant 4 : index
      %get3A_34 = arith.constant 2048 : index
      %get3A_35 = vector.load %arg2[%get3A_33, %get3A_34] : memref<5x20480xf32, #tpu.memory_space<vmem>>, vector<1x2048xf32>
      %add3A_36 = vector.broadcast %get3A_35 : vector<1x2048xf32> to vector<512x2048xf32>
      %add3A_37 = arith.addf %add3A_36, %dot_general3A_32 : vector<512x2048xf32>
      %get3A_38 = arith.constant 0 : index
      %get3A_39 = arith.constant 0 : index
      %get3A_40 = vector.load %arg9[%get3A_38, %get3A_39] : memref<512x2048xf32, #tpu.memory_space<vmem>>, vector<512x2048xf32>
      %min3A = arith.minimumf %get3A_40, %add3A_37 : vector<512x2048xf32>
      %swap3A_41 = arith.constant 0 : index
      %swap3A_42 = arith.constant 0 : index
      %swap3A_43 = vector.load %arg9[%swap3A_41, %swap3A_42] : memref<512x2048xf32, #tpu.memory_space<vmem>>, vector<512x2048xf32>
      tpu.vector_store %arg9[%swap3A_41, %swap3A_42], %min3A {strides = array<i32>} : memref<512x2048xf32, #tpu.memory_space<vmem>>, vector<512x2048xf32>,
      %get3A_44 = arith.constant 0 : index
      %get3A_45 = arith.constant 4096 : index
      %get3A_46 = vector.load %arg2[%get3A_44, %get3A_45] : memref<5x20480xf32, #tpu.memory_space<vmem>>, vector<3x2048xf32>
      %dot_general3A_47 = arith.constant dense<0.000000e+00> : vector<512x2048xf32>
      %dot_general3A_48 = tpu.matmul %get3A_17, %get3A_46, %dot_general3A_47 {dimension_numbers = #tpu.dot_dimension_numbers<[1], [0], [0], [1], [0, 0, 1, 1], [], []>, transpose_lhs_hint = false} : vector<512x3xf32>, vector<3x2048xf32>, vector<512x2048xf32> -> vector<512x2048xf32>
      %get3A_49 = arith.constant 4 : index
      %get3A_50 = arith.constant 4096 : index
      %get3A_51 = vector.load %arg2[%get3A_49, %get3A_50] : memref<5x20480xf32, #tpu.memory_space<vmem>>, vector<1x2048xf32>
      %add3A_52 = vector.broadcast %get3A_51 : vector<1x2048xf32> to vector<512x2048xf32>
      %add3A_53 = arith.addf %add3A_52, %dot_general3A_48 : vector<512x2048xf32>
      %get3A_54 = arith.constant 0 : index
      %get3A_55 = arith.constant 0 : index
      %get3A_56 = vector.load %arg9[%get3A_54, %get3A_55] : memref<512x2048xf32, #tpu.memory_space<vmem>>, vector<512x2048xf32>
      %min3A_57 = arith.minimumf %get3A_56, %add3A_53 : vector<512x2048xf32>
      %swap3A_58 = arith.constant 0 : index
      %swap3A_59 = arith.constant 0 : index
      %swap3A_60 = vector.load %arg9[%swap3A_58, %swap3A_59] : memref<512x2048xf32, #tpu.memory_space<vmem>>, vector<512x2048xf32>
      tpu.vector_store %arg9[%swap3A_58, %swap3A_59], %min3A_57 {strides = array<i32>} : memref<512x2048xf32, #tpu.memory_space<vmem>>, vector<512x2048xf32>,
      %get3A_61 = arith.constant 0 : index
      %get3A_62 = arith.constant 6144 : index
      %get3A_63 = vector.load %arg2[%get3A_61, %get3A_62] : memref<5x20480xf32, #tpu.memory_space<vmem>>, vector<3x2048xf32>
      %dot_general3A_64 = arith.constant dense<0.000000e+00> : vector<512x2048xf32>
      %dot_general3A_65 = tpu.matmul %get3A_17, %get3A_63, %dot_general3A_64 {dimension_numbers = #tpu.dot_dimension_numbers<[1], [0], [0], [1], [0, 0, 1, 1], [], []>, transpose_lhs_hint = false} : vector<512x3xf32>, vector<3x2048xf32>, vector<512x2048xf32> -> vector<512x2048xf32>
      %get3A_66 = arith.constant 4 : index
      %get3A_67 = arith.constant 6144 : index
      %get3A_68 = vector.load %arg2[%get3A_66, %get3A_67] : memref<5x20480xf32, #tpu.memory_space<vmem>>, vector<1x2048xf32>
      %add3A_69 = vector.broadcast %get3A_68 : vector<1x2048xf32> to vector<512x2048xf32>
      %add3A_70 = arith.addf %add3A_69, %dot_general3A_65 : vector<512x2048xf32>
      %get3A_71 = arith.constant 0 : index
      %get3A_72 = arith.constant 0 : index
      %get3A_73 = vector.load %arg9[%get3A_71, %get3A_72] : memref<512x2048xf32, #tpu.memory_space<vmem>>, vector<512x2048xf32>
      %min3A_74 = arith.minimumf %get3A_73, %add3A_70 : vector<512x2048xf32>
      %swap3A_75 = arith.constant 0 : index
      %swap3A_76 = arith.constant 0 : index
      %swap3A_77 = vector.load %arg9[%swap3A_75, %swap3A_76] : memref<512x2048xf32, #tpu.memory_space<vmem>>, vector<512x2048xf32>
      tpu.vector_store %arg9[%swap3A_75, %swap3A_76], %min3A_74 {strides = array<i32>} : memref<512x2048xf32, #tpu.memory_space<vmem>>, vector<512x2048xf32>,
      %get3A_78 = arith.constant 0 : index
      %get3A_79 = arith.constant 8192 : index
      %get3A_80 = vector.load %arg2[%get3A_78, %get3A_79] : memref<5x20480xf32, #tpu.memory_space<vmem>>, vector<3x2048xf32>
      %dot_general3A_81 = arith.constant dense<0.000000e+00> : vector<512x2048xf32>
      %dot_general3A_82 = tpu.matmul %get3A_17, %get3A_80, %dot_general3A_81 {dimension_numbers = #tpu.dot_dimension_numbers<[1], [0], [0], [1], [0, 0, 1, 1], [], []>, transpose_lhs_hint = false} : vector<512x3xf32>, vector<3x2048xf32>, vector<512x2048xf32> -> vector<512x2048xf32>
      %get3A_83 = arith.constant 4 : index
      %get3A_84 = arith.constant 8192 : index
      %get3A_85 = vector.load %arg2[%get3A_83, %get3A_84] : memref<5x20480xf32, #tpu.memory_space<vmem>>, vector<1x2048xf32>
      %add3A_86 = vector.broadcast %get3A_85 : vector<1x2048xf32> to vector<512x2048xf32>
      %add3A_87 = arith.addf %add3A_86, %dot_general3A_82 : vector<512x2048xf32>
      %get3A_88 = arith.constant 0 : index
      %get3A_89 = arith.constant 0 : index
      %get3A_90 = vector.load %arg9[%get3A_88, %get3A_89] : memref<512x2048xf32, #tpu.memory_space<vmem>>, vector<512x2048xf32>
      %min3A_91 = arith.minimumf %get3A_90, %add3A_87 : vector<512x2048xf32>
      %swap3A_92 = arith.constant 0 : index
      %swap3A_93 = arith.constant 0 : index
      %swap3A_94 = vector.load %arg9[%swap3A_92, %swap3A_93] : memref<512x2048xf32, #tpu.memory_space<vmem>>, vector<512x2048xf32>
      tpu.vector_store %arg9[%swap3A_92, %swap3A_93], %min3A_91 {strides = array<i32>} : memref<512x2048xf32, #tpu.memory_space<vmem>>, vector<512x2048xf32>,
      %get3A_95 = arith.constant 0 : index
      %get3A_96 = arith.constant 10240 : index
      %get3A_97 = vector.load %arg2[%get3A_95, %get3A_96] : memref<5x20480xf32, #tpu.memory_space<vmem>>, vector<3x2048xf32>
      %dot_general3A_98 = arith.constant dense<0.000000e+00> : vector<512x2048xf32>
      %dot_general3A_99 = tpu.matmul %get3A_17, %get3A_97, %dot_general3A_98 {dimension_numbers = #tpu.dot_dimension_numbers<[1], [0], [0], [1], [0, 0, 1, 1], [], []>, transpose_lhs_hint = false} : vector<512x3xf32>, vector<3x2048xf32>, vector<512x2048xf32> -> vector<512x2048xf32>
      %get3A_100 = arith.constant 4 : index
      %get3A_101 = arith.constant 10240 : index
      %get3A_102 = vector.load %arg2[%get3A_100, %get3A_101] : memref<5x20480xf32, #tpu.memory_space<vmem>>, vector<1x2048xf32>
      %add3A_103 = vector.broadcast %get3A_102 : vector<1x2048xf32> to vector<512x2048xf32>
      %add3A_104 = arith.addf %add3A_103, %dot_general3A_99 : vector<512x2048xf32>
      %get3A_105 = arith.constant 0 : index
      %get3A_106 = arith.constant 0 : index
      %get3A_107 = vector.load %arg9[%get3A_105, %get3A_106] : memref<512x2048xf32, #tpu.memory_space<vmem>>, vector<512x2048xf32>
      %min3A_108 = arith.minimumf %get3A_107, %add3A_104 : vector<512x2048xf32>
      %swap3A_109 = arith.constant 0 : index
      %swap3A_110 = arith.constant 0 : index
      %swap3A_111 = vector.load %arg9[%swap3A_109, %swap3A_110] : memref<512x2048xf32, #tpu.memory_space<vmem>>, vector<512x2048xf32>
      tpu.vector_store %arg9[%swap3A_109, %swap3A_110], %min3A_108 {strides = array<i32>} : memref<512x2048xf32, #tpu.memory_space<vmem>>, vector<512x2048xf32>,
      %get3A_112 = arith.constant 0 : index
      %get3A_113 = arith.constant 12288 : index
      %get3A_114 = vector.load %arg2[%get3A_112, %get3A_113] : memref<5x20480xf32, #tpu.memory_space<vmem>>, vector<3x2048xf32>
      %dot_general3A_115 = arith.constant dense<0.000000e+00> : vector<512x2048xf32>
      %dot_general3A_116 = tpu.matmul %get3A_17, %get3A_114, %dot_general3A_115 {dimension_numbers = #tpu.dot_dimension_numbers<[1], [0], [0], [1], [0, 0, 1, 1], [], []>, transpose_lhs_hint = false} : vector<512x3xf32>, vector<3x2048xf32>, vector<512x2048xf32> -> vector<512x2048xf32>
      %get3A_117 = arith.constant 4 : index
      %get3A_118 = arith.constant 12288 : index
      %get3A_119 = vector.load %arg2[%get3A_117, %get3A_118] : memref<5x20480xf32, #tpu.memory_space<vmem>>, vector<1x2048xf32>
      %add3A_120 = vector.broadcast %get3A_119 : vector<1x2048xf32> to vector<512x2048xf32>
      %add3A_121 = arith.addf %add3A_120, %dot_general3A_116 : vector<512x2048xf32>
      %get3A_122 = arith.constant 0 : index
      %get3A_123 = arith.constant 0 : index
      %get3A_124 = vector.load %arg9[%get3A_122, %get3A_123] : memref<512x2048xf32, #tpu.memory_space<vmem>>, vector<512x2048xf32>
      %min3A_125 = arith.minimumf %get3A_124, %add3A_121 : vector<512x2048xf32>
      %swap3A_126 = arith.constant 0 : index
      %swap3A_127 = arith.constant 0 : index
      %swap3A_128 = vector.load %arg9[%swap3A_126, %swap3A_127] : memref<512x2048xf32, #tpu.memory_space<vmem>>, vector<512x2048xf32>
      tpu.vector_store %arg9[%swap3A_126, %swap3A_127], %min3A_125 {strides = array<i32>} : memref<512x2048xf32, #tpu.memory_space<vmem>>, vector<512x2048xf32>,
      %get3A_129 = arith.constant 0 : index
      %get3A_130 = arith.constant 14336 : index
      %get3A_131 = vector.load %arg2[%get3A_129, %get3A_130] : memref<5x20480xf32, #tpu.memory_space<vmem>>, vector<3x2048xf32>
      %dot_general3A_132 = arith.constant dense<0.000000e+00> : vector<512x2048xf32>
      %dot_general3A_133 = tpu.matmul %get3A_17, %get3A_131, %dot_general3A_132 {dimension_numbers = #tpu.dot_dimension_numbers<[1], [0], [0], [1], [0, 0, 1, 1], [], []>, transpose_lhs_hint = false} : vector<512x3xf32>, vector<3x2048xf32>, vector<512x2048xf32> -> vector<512x2048xf32>
      %get3A_134 = arith.constant 4 : index
      %get3A_135 = arith.constant 14336 : index
      %get3A_136 = vector.load %arg2[%get3A_134, %get3A_135] : memref<5x20480xf32, #tpu.memory_space<vmem>>, vector<1x2048xf32>
      %add3A_137 = vector.broadcast %get3A_136 : vector<1x2048xf32> to vector<512x2048xf32>
      %add3A_138 = arith.addf %add3A_137, %dot_general3A_133 : vector<512x2048xf32>
      %get3A_139 = arith.constant 0 : index
      %get3A_140 = arith.constant 0 : index
      %get3A_141 = vector.load %arg9[%get3A_139, %get3A_140] : memref<512x2048xf32, #tpu.memory_space<vmem>>, vector<512x2048xf32>
      %min3A_142 = arith.minimumf %get3A_141, %add3A_138 : vector<512x2048xf32>
      %swap3A_143 = arith.constant 0 : index
      %swap3A_144 = arith.constant 0 : index
      %swap3A_145 = vector.load %arg9[%swap3A_143, %swap3A_144] : memref<512x2048xf32, #tpu.memory_space<vmem>>, vector<512x2048xf32>
      tpu.vector_store %arg9[%swap3A_143, %swap3A_144], %min3A_142 {strides = array<i32>} : memref<512x2048xf32, #tpu.memory_space<vmem>>, vector<512x2048xf32>,
      %get3A_146 = arith.constant 0 : index
      %get3A_147 = arith.constant 16384 : index
      %get3A_148 = vector.load %arg2[%get3A_146, %get3A_147] : memref<5x20480xf32, #tpu.memory_space<vmem>>, vector<3x2048xf32>
      %dot_general3A_149 = arith.constant dense<0.000000e+00> : vector<512x2048xf32>
      %dot_general3A_150 = tpu.matmul %get3A_17, %get3A_148, %dot_general3A_149 {dimension_numbers = #tpu.dot_dimension_numbers<[1], [0], [0], [1], [0, 0, 1, 1], [], []>, transpose_lhs_hint = false} : vector<512x3xf32>, vector<3x2048xf32>, vector<512x2048xf32> -> vector<512x2048xf32>
      %get3A_151 = arith.constant 4 : index
      %get3A_152 = arith.constant 16384 : index
      %get3A_153 = vector.load %arg2[%get3A_151, %get3A_152] : memref<5x20480xf32, #tpu.memory_space<vmem>>, vector<1x2048xf32>
      %add3A_154 = vector.broadcast %get3A_153 : vector<1x2048xf32> to vector<512x2048xf32>
      %add3A_155 = arith.addf %add3A_154, %dot_general3A_150 : vector<512x2048xf32>
      %get3A_156 = arith.constant 0 : index
      %get3A_157 = arith.constant 0 : index
      %get3A_158 = vector.load %arg9[%get3A_156, %get3A_157] : memref<512x2048xf32, #tpu.memory_space<vmem>>, vector<512x2048xf32>
      %min3A_159 = arith.minimumf %get3A_158, %add3A_155 : vector<512x2048xf32>
      %swap3A_160 = arith.constant 0 : index
      %swap3A_161 = arith.constant 0 : index
      %swap3A_162 = vector.load %arg9[%swap3A_160, %swap3A_161] : memref<512x2048xf32, #tpu.memory_space<vmem>>, vector<512x2048xf32>
      tpu.vector_store %arg9[%swap3A_160, %swap3A_161], %min3A_159 {strides = array<i32>} : memref<512x2048xf32, #tpu.memory_space<vmem>>, vector<512x2048xf32>,
      %get3A_163 = arith.constant 0 : index
      %get3A_164 = arith.constant 18432 : index
      %get3A_165 = vector.load %arg2[%get3A_163, %get3A_164] : memref<5x20480xf32, #tpu.memory_space<vmem>>, vector<3x2048xf32>
      %dot_general3A_166 = arith.constant dense<0.000000e+00> : vector<512x2048xf32>
      %dot_general3A_167 = tpu.matmul %get3A_17, %get3A_165, %dot_general3A_166 {dimension_numbers = #tpu.dot_dimension_numbers<[1], [0], [0], [1], [0, 0, 1, 1], [], []>, transpose_lhs_hint = false} : vector<512x3xf32>, vector<3x2048xf32>, vector<512x2048xf32> -> vector<512x2048xf32>
      %get3A_168 = arith.constant 4 : index
      %get3A_169 = arith.constant 18432 : index
      %get3A_170 = vector.load %arg2[%get3A_168, %get3A_169] : memref<5x20480xf32, #tpu.memory_space<vmem>>, vector<1x2048xf32>
      %add3A_171 = vector.broadcast %get3A_170 : vector<1x2048xf32> to vector<512x2048xf32>
      %add3A_172 = arith.addf %add3A_171, %dot_general3A_167 : vector<512x2048xf32>
      %get3A_173 = arith.constant 0 : index
      %get3A_174 = arith.constant 0 : index
      %get3A_175 = vector.load %arg9[%get3A_173, %get3A_174] : memref<512x2048xf32, #tpu.memory_space<vmem>>, vector<512x2048xf32>
      %min3A_176 = arith.minimumf %get3A_175, %add3A_172 : vector<512x2048xf32>
      %swap3A_177 = arith.constant 0 : index
      %swap3A_178 = arith.constant 0 : index
      %swap3A_179 = vector.load %arg9[%swap3A_177, %swap3A_178] : memref<512x2048xf32, #tpu.memory_space<vmem>>, vector<512x2048xf32>
      tpu.vector_store %arg9[%swap3A_177, %swap3A_178], %min3A_176 {strides = array<i32>} : memref<512x2048xf32, #tpu.memory_space<vmem>>, vector<512x2048xf32>,
      %get3A_180 = arith.index_cast %multiple_of3A : i32 to index
      %get3A_181 = arith.constant 3 : index
      %get3A_182 = vector.load %arg1[%get3A_180, %get3A_181] : memref<1536x5xf32, #tpu.memory_space<vmem>>, vector<512x1xf32>
      %get3A_183 = vector.shape_cast %get3A_182 : vector<512x1xf32> to vector<512xf32>
      %get3A_184 = arith.constant 0 : index
      %get3A_185 = arith.constant 0 : index
      %get3A_186 = vector.load %arg9[%get3A_184, %get3A_185] : memref<512x2048xf32, #tpu.memory_space<vmem>>, vector<512x2048xf32>
      %reduce_min3A = arith.constant dense<0x7F800000> : vector<512xf32>
      %reduce_min3A_187 = vector.multi_reduction <minimumf>, %get3A_186, %reduce_min3A [1] : vector<512x2048xf32> to vector<512xf32>
      %add3A_188 = arith.addf %get3A_183, %reduce_min3A_187 : vector<512xf32>
      %max3A = arith.constant 0.000000e+00 : f32
      %max3A_189 = vector.broadcast %max3A : f32 to vector<512xf32>
      %max3A_190 = arith.maximumf %add3A_188, %max3A_189 : vector<512xf32>
      %sqrt3A = math.sqrt %max3A_190 : vector<512xf32>
      %get3A_191 = arith.constant 0 : index
      %get3A_192 = memref.load %arg8[%get3A_191] : memref<3xf32, #tpu.memory_space<smem>>
      %get3A_193 = arith.constant 0 : index
      %get3A_194 = arith.index_cast %multiple_of3A : i32 to index
      %get3A_195 = vector.load %arg5[%get3A_193, %get3A_194] : memref<1x1536xf32, #tpu.memory_space<vmem>>, vector<1x512xf32>
      %get3A_196 = vector.shape_cast %get3A_195 : vector<1x512xf32> to vector<512xf32>
      %mul3A_197 = arith.mulf %get3A_196, %sqrt3A : vector<512xf32>
      %reduce_sum3A = vector.shape_cast %mul3A_197 : vector<512xf32> to vector<1x512xf32>
      %reduce_sum3A_198 = arith.constant dense<0.000000e+00> : vector<1xf32>
      %reduce_sum3A_199 = vector.multi_reduction <add>, %reduce_sum3A, %reduce_sum3A_198 [1] : vector<1x512xf32> to vector<1xf32>
      %reduce_sum3A_200 = vector.shape_cast %reduce_sum3A_199 : vector<1xf32> to vector<1x1xf32>
      %reduce_sum3A_201 = vector.extract %reduce_sum3A_200[0, 0] : f32 from vector<1x1xf32>
      %add3A_202 = arith.addf %get3A_192, %reduce_sum3A_201 : f32
      %swap3A_203 = arith.constant 0 : index
      %swap3A_204 = memref.load %arg8[%swap3A_203] : memref<3xf32, #tpu.memory_space<smem>>
      memref.store %add3A_202, %arg8[%swap3A_203] : memref<3xf32, #tpu.memory_space<smem>>
    } else {
    }
    %ge3A = arith.constant 3 : i32
    %ge3A_6 = arith.cmpi sge, %arg0, %ge3A : i32
    %convert_element_type3A_7 = arith.extui %ge3A_6 : i1 to i32
    %cond3A_8 = arith.constant 0 : i32
    %cond3A_9 = arith.cmpi ne, %convert_element_type3A_7, %cond3A_8 : i32
    scf.if %cond3A_9 {
      %sub3A = arith.constant 3 : i32
      %sub3A_15 = arith.subi %arg0, %sub3A : i32
      %mul3A = arith.constant 512 : i32
      %mul3A_16 = arith.muli %sub3A_15, %mul3A : i32
      %multiple_of3A = tpu.assume_multiple %mul3A_16, 512 : i32
      %get3A = arith.index_cast %multiple_of3A : i32 to index
      %get3A_17 = arith.constant 0 : index
      %get3A_18 = vector.load %arg3[%get3A, %get3A_17] : memref<6144x5xf32, #tpu.memory_space<vmem>>, vector<512x3xf32>
      %get3A_19 = arith.constant 0 : index
      %get3A_20 = arith.constant 0 : index
      %get3A_21 = vector.load %arg4[%get3A_19, %get3A_20] : memref<5x10240xf32, #tpu.memory_space<vmem>>, vector<3x2048xf32>
      %dot_general3A = arith.constant dense<0.000000e+00> : vector<512x2048xf32>
      %dot_general3A_22 = tpu.matmul %get3A_18, %get3A_21, %dot_general3A {dimension_numbers = #tpu.dot_dimension_numbers<[1], [0], [0], [1], [0, 0, 1, 1], [], []>, transpose_lhs_hint = false} : vector<512x3xf32>, vector<3x2048xf32>, vector<512x2048xf32> -> vector<512x2048xf32>
      %get3A_23 = arith.constant 4 : index
      %get3A_24 = arith.constant 0 : index
      %get3A_25 = vector.load %arg4[%get3A_23, %get3A_24] : memref<5x10240xf32, #tpu.memory_space<vmem>>, vector<1x2048xf32>
      %add3A = vector.broadcast %get3A_25 : vector<1x2048xf32> to vector<512x2048xf32>
      %add3A_26 = arith.addf %add3A, %dot_general3A_22 : vector<512x2048xf32>
      %swap3A = arith.constant 0 : index
      %swap3A_27 = arith.constant 0 : index
      %swap3A_28 = vector.load %arg9[%swap3A, %swap3A_27] : memref<512x2048xf32, #tpu.memory_space<vmem>>, vector<512x2048xf32>
      tpu.vector_store %arg9[%swap3A, %swap3A_27], %add3A_26 {strides = array<i32>} : memref<512x2048xf32, #tpu.memory_space<vmem>>, vector<512x2048xf32>,
      %get3A_29 = arith.constant 0 : index
      %get3A_30 = arith.constant 2048 : index
      %get3A_31 = vector.load %arg4[%get3A_29, %get3A_30] : memref<5x10240xf32, #tpu.memory_space<vmem>>, vector<3x2048xf32>
      %dot_general3A_32 = arith.constant dense<0.000000e+00> : vector<512x2048xf32>
      %dot_general3A_33 = tpu.matmul %get3A_18, %get3A_31, %dot_general3A_32 {dimension_numbers = #tpu.dot_dimension_numbers<[1], [0], [0], [1], [0, 0, 1, 1], [], []>, transpose_lhs_hint = false} : vector<512x3xf32>, vector<3x2048xf32>, vector<512x2048xf32> -> vector<512x2048xf32>
      %get3A_34 = arith.constant 4 : index
      %get3A_35 = arith.constant 2048 : index
      %get3A_36 = vector.load %arg4[%get3A_34, %get3A_35] : memref<5x10240xf32, #tpu.memory_space<vmem>>, vector<1x2048xf32>
      %add3A_37 = vector.broadcast %get3A_36 : vector<1x2048xf32> to vector<512x2048xf32>
      %add3A_38 = arith.addf %add3A_37, %dot_general3A_33 : vector<512x2048xf32>
      %get3A_39 = arith.constant 0 : index
      %get3A_40 = arith.constant 0 : index
      %get3A_41 = vector.load %arg9[%get3A_39, %get3A_40] : memref<512x2048xf32, #tpu.memory_space<vmem>>, vector<512x2048xf32>
      %min3A = arith.minimumf %get3A_41, %add3A_38 : vector<512x2048xf32>
      %swap3A_42 = arith.constant 0 : index
      %swap3A_43 = arith.constant 0 : index
      %swap3A_44 = vector.load %arg9[%swap3A_42, %swap3A_43] : memref<512x2048xf32, #tpu.memory_space<vmem>>, vector<512x2048xf32>
      tpu.vector_store %arg9[%swap3A_42, %swap3A_43], %min3A {strides = array<i32>} : memref<512x2048xf32, #tpu.memory_space<vmem>>, vector<512x2048xf32>,
      %get3A_45 = arith.constant 0 : index
      %get3A_46 = arith.constant 4096 : index
      %get3A_47 = vector.load %arg4[%get3A_45, %get3A_46] : memref<5x10240xf32, #tpu.memory_space<vmem>>, vector<3x2048xf32>
      %dot_general3A_48 = arith.constant dense<0.000000e+00> : vector<512x2048xf32>
      %dot_general3A_49 = tpu.matmul %get3A_18, %get3A_47, %dot_general3A_48 {dimension_numbers = #tpu.dot_dimension_numbers<[1], [0], [0], [1], [0, 0, 1, 1], [], []>, transpose_lhs_hint = false} : vector<512x3xf32>, vector<3x2048xf32>, vector<512x2048xf32> -> vector<512x2048xf32>
      %get3A_50 = arith.constant 4 : index
      %get3A_51 = arith.constant 4096 : index
      %get3A_52 = vector.load %arg4[%get3A_50, %get3A_51] : memref<5x10240xf32, #tpu.memory_space<vmem>>, vector<1x2048xf32>
      %add3A_53 = vector.broadcast %get3A_52 : vector<1x2048xf32> to vector<512x2048xf32>
      %add3A_54 = arith.addf %add3A_53, %dot_general3A_49 : vector<512x2048xf32>
      %get3A_55 = arith.constant 0 : index
      %get3A_56 = arith.constant 0 : index
      %get3A_57 = vector.load %arg9[%get3A_55, %get3A_56] : memref<512x2048xf32, #tpu.memory_space<vmem>>, vector<512x2048xf32>
      %min3A_58 = arith.minimumf %get3A_57, %add3A_54 : vector<512x2048xf32>
      %swap3A_59 = arith.constant 0 : index
      %swap3A_60 = arith.constant 0 : index
      %swap3A_61 = vector.load %arg9[%swap3A_59, %swap3A_60] : memref<512x2048xf32, #tpu.memory_space<vmem>>, vector<512x2048xf32>
      tpu.vector_store %arg9[%swap3A_59, %swap3A_60], %min3A_58 {strides = array<i32>} : memref<512x2048xf32, #tpu.memory_space<vmem>>, vector<512x2048xf32>,
      %get3A_62 = arith.constant 0 : index
      %get3A_63 = arith.constant 6144 : index
      %get3A_64 = vector.load %arg4[%get3A_62, %get3A_63] : memref<5x10240xf32, #tpu.memory_space<vmem>>, vector<3x2048xf32>
      %dot_general3A_65 = arith.constant dense<0.000000e+00> : vector<512x2048xf32>
      %dot_general3A_66 = tpu.matmul %get3A_18, %get3A_64, %dot_general3A_65 {dimension_numbers = #tpu.dot_dimension_numbers<[1], [0], [0], [1], [0, 0, 1, 1], [], []>, transpose_lhs_hint = false} : vector<512x3xf32>, vector<3x2048xf32>, vector<512x2048xf32> -> vector<512x2048xf32>
      %get3A_67 = arith.constant 4 : index
      %get3A_68 = arith.constant 6144 : index
      %get3A_69 = vector.load %arg4[%get3A_67, %get3A_68] : memref<5x10240xf32, #tpu.memory_space<vmem>>, vector<1x2048xf32>
      %add3A_70 = vector.broadcast %get3A_69 : vector<1x2048xf32> to vector<512x2048xf32>
      %add3A_71 = arith.addf %add3A_70, %dot_general3A_66 : vector<512x2048xf32>
      %get3A_72 = arith.constant 0 : index
      %get3A_73 = arith.constant 0 : index
      %get3A_74 = vector.load %arg9[%get3A_72, %get3A_73] : memref<512x2048xf32, #tpu.memory_space<vmem>>, vector<512x2048xf32>
      %min3A_75 = arith.minimumf %get3A_74, %add3A_71 : vector<512x2048xf32>
      %swap3A_76 = arith.constant 0 : index
      %swap3A_77 = arith.constant 0 : index
      %swap3A_78 = vector.load %arg9[%swap3A_76, %swap3A_77] : memref<512x2048xf32, #tpu.memory_space<vmem>>, vector<512x2048xf32>
      tpu.vector_store %arg9[%swap3A_76, %swap3A_77], %min3A_75 {strides = array<i32>} : memref<512x2048xf32, #tpu.memory_space<vmem>>, vector<512x2048xf32>,
      %get3A_79 = arith.constant 0 : index
      %get3A_80 = arith.constant 8192 : index
      %get3A_81 = vector.load %arg4[%get3A_79, %get3A_80] : memref<5x10240xf32, #tpu.memory_space<vmem>>, vector<3x2048xf32>
      %dot_general3A_82 = arith.constant dense<0.000000e+00> : vector<512x2048xf32>
      %dot_general3A_83 = tpu.matmul %get3A_18, %get3A_81, %dot_general3A_82 {dimension_numbers = #tpu.dot_dimension_numbers<[1], [0], [0], [1], [0, 0, 1, 1], [], []>, transpose_lhs_hint = false} : vector<512x3xf32>, vector<3x2048xf32>, vector<512x2048xf32> -> vector<512x2048xf32>
      %get3A_84 = arith.constant 4 : index
      %get3A_85 = arith.constant 8192 : index
      %get3A_86 = vector.load %arg4[%get3A_84, %get3A_85] : memref<5x10240xf32, #tpu.memory_space<vmem>>, vector<1x2048xf32>
      %add3A_87 = vector.broadcast %get3A_86 : vector<1x2048xf32> to vector<512x2048xf32>
      %add3A_88 = arith.addf %add3A_87, %dot_general3A_83 : vector<512x2048xf32>
      %get3A_89 = arith.constant 0 : index
      %get3A_90 = arith.constant 0 : index
      %get3A_91 = vector.load %arg9[%get3A_89, %get3A_90] : memref<512x2048xf32, #tpu.memory_space<vmem>>, vector<512x2048xf32>
      %min3A_92 = arith.minimumf %get3A_91, %add3A_88 : vector<512x2048xf32>
      %swap3A_93 = arith.constant 0 : index
      %swap3A_94 = arith.constant 0 : index
      %swap3A_95 = vector.load %arg9[%swap3A_93, %swap3A_94] : memref<512x2048xf32, #tpu.memory_space<vmem>>, vector<512x2048xf32>
      tpu.vector_store %arg9[%swap3A_93, %swap3A_94], %min3A_92 {strides = array<i32>} : memref<512x2048xf32, #tpu.memory_space<vmem>>, vector<512x2048xf32>,
      %get3A_96 = arith.index_cast %multiple_of3A : i32 to index
      %get3A_97 = arith.constant 3 : index
      %get3A_98 = vector.load %arg3[%get3A_96, %get3A_97] : memref<6144x5xf32, #tpu.memory_space<vmem>>, vector<512x1xf32>
      %get3A_99 = vector.shape_cast %get3A_98 : vector<512x1xf32> to vector<512xf32>
      %get3A_100 = arith.constant 0 : index
      %get3A_101 = arith.constant 0 : index
      %get3A_102 = vector.load %arg9[%get3A_100, %get3A_101] : memref<512x2048xf32, #tpu.memory_space<vmem>>, vector<512x2048xf32>
      %reduce_min3A = arith.constant dense<0x7F800000> : vector<512xf32>
      %reduce_min3A_103 = vector.multi_reduction <minimumf>, %get3A_102, %reduce_min3A [1] : vector<512x2048xf32> to vector<512xf32>
      %add3A_104 = arith.addf %get3A_99, %reduce_min3A_103 : vector<512xf32>
      %max3A = arith.constant 0.000000e+00 : f32
      %max3A_105 = vector.broadcast %max3A : f32 to vector<512xf32>
      %max3A_106 = arith.maximumf %add3A_104, %max3A_105 : vector<512xf32>
      %sqrt3A = math.sqrt %max3A_106 : vector<512xf32>
      %get3A_107 = arith.constant 1 : index
      %get3A_108 = memref.load %arg8[%get3A_107] : memref<3xf32, #tpu.memory_space<smem>>
      %get3A_109 = arith.constant 0 : index
      %get3A_110 = arith.index_cast %multiple_of3A : i32 to index
      %get3A_111 = vector.load %arg6[%get3A_109, %get3A_110] : memref<1x6144xf32, #tpu.memory_space<vmem>>, vector<1x512xf32>
      %get3A_112 = vector.shape_cast %get3A_111 : vector<1x512xf32> to vector<512xf32>
      %mul3A_113 = arith.mulf %get3A_112, %sqrt3A : vector<512xf32>
      %reduce_sum3A = vector.shape_cast %mul3A_113 : vector<512xf32> to vector<1x512xf32>
      %reduce_sum3A_114 = arith.constant dense<0.000000e+00> : vector<1xf32>
      %reduce_sum3A_115 = vector.multi_reduction <add>, %reduce_sum3A, %reduce_sum3A_114 [1] : vector<1x512xf32> to vector<1xf32>
      %reduce_sum3A_116 = vector.shape_cast %reduce_sum3A_115 : vector<1xf32> to vector<1x1xf32>
      %reduce_sum3A_117 = vector.extract %reduce_sum3A_116[0, 0] : f32 from vector<1x1xf32>
      %add3A_118 = arith.addf %get3A_108, %reduce_sum3A_117 : f32
      %swap3A_119 = arith.constant 1 : index
      %swap3A_120 = memref.load %arg8[%swap3A_119] : memref<3xf32, #tpu.memory_space<smem>>
      memref.store %add3A_118, %arg8[%swap3A_119] : memref<3xf32, #tpu.memory_space<smem>>
      %get3A_121 = arith.constant 2 : index
      %get3A_122 = memref.load %arg8[%get3A_121] : memref<3xf32, #tpu.memory_space<smem>>
      %reduce_max3A = vector.shape_cast %sqrt3A : vector<512xf32> to vector<1x512xf32>
      %reduce_max3A_123 = arith.constant dense<0xFF800000> : vector<1xf32>
      %reduce_max3A_124 = vector.multi_reduction <maximumf>, %reduce_max3A, %reduce_max3A_123 [1] : vector<1x512xf32> to vector<1xf32>
      %reduce_max3A_125 = vector.shape_cast %reduce_max3A_124 : vector<1xf32> to vector<1x1xf32>
      %reduce_max3A_126 = vector.extract %reduce_max3A_125[0, 0] : f32 from vector<1x1xf32>
      %max3A_127 = arith.maximumf %get3A_122, %reduce_max3A_126 : f32
      %swap3A_128 = arith.constant 2 : index
      %swap3A_129 = memref.load %arg8[%swap3A_128] : memref<3xf32, #tpu.memory_space<smem>>
      memref.store %max3A_127, %arg8[%swap3A_128] : memref<3xf32, #tpu.memory_space<smem>>
    } else {
    }
    %eq3A_10 = arith.constant 14 : i32
    %eq3A_11 = arith.cmpi eq, %arg0, %eq3A_10 : i32
    %convert_element_type3A_12 = arith.extui %eq3A_11 : i1 to i32
    %cond3A_13 = arith.constant 0 : i32
    %cond3A_14 = arith.cmpi ne, %convert_element_type3A_12, %cond3A_13 : i32
    scf.if %cond3A_14 {
      %get3A = arith.constant 0 : index
      %get3A_15 = memref.load %arg8[%get3A] : memref<3xf32, #tpu.memory_space<smem>>
      %get3A_16 = arith.constant 1 : index
      %get3A_17 = memref.load %arg8[%get3A_16] : memref<3xf32, #tpu.memory_space<smem>>
      %mul3A = arith.constant 1.000000e-01 : f32
      %mul3A_18 = arith.mulf %get3A_17, %mul3A : f32
      %get3A_19 = arith.constant 2 : index
      %get3A_20 = memref.load %arg8[%get3A_19] : memref<3xf32, #tpu.memory_space<smem>>
      %add3A = arith.constant 9.99999993E-9 : f32
      %add3A_21 = arith.addf %get3A_20, %add3A : f32
      %div3A = arith.divf %mul3A_18, %add3A_21 : f32
      %add3A_22 = arith.addf %get3A_15, %div3A : f32
      %swap3A = arith.constant 0 : index
      %swap3A_23 = arith.constant 0 : index
      %swap3A_24 = memref.load %arg7[%swap3A, %swap3A_23] : memref<1x1xf32, #tpu.memory_space<smem>>
      memref.store %add3A_22, %arg7[%swap3A, %swap3A_23] : memref<1x1xf32, #tpu.memory_space<smem>>
    } else {
    }
    return
  }
  func.func @transform_0(%arg0: i32) -> (i32, i32) {
    %c0_i32 = arith.constant 0 : i32
    %c0_i32_0 = arith.constant 0 : i32
    %c0_i32_1 = arith.constant 0 : i32
    return %c0_i32, %c0_i32_0 : i32, i32
  }
  func.func @transform_1(%arg0: i32) -> (i32, i32) {
    %c0_i32 = arith.constant 0 : i32
    %c0_i32_0 = arith.constant 0 : i32
    %c0_i32_1 = arith.constant 0 : i32
    return %c0_i32, %c0_i32_0 : i32, i32
  }
  func.func @transform_2(%arg0: i32) -> (i32, i32) {
    %c0_i32 = arith.constant 0 : i32
    %c0_i32_0 = arith.constant 0 : i32
    %c0_i32_1 = arith.constant 0 : i32
    return %c0_i32, %c0_i32_0 : i32, i32
  }
  func.func @transform_3(%arg0: i32) -> (i32, i32) {
    %c0_i32 = arith.constant 0 : i32
    %c0_i32_0 = arith.constant 0 : i32
    %c0_i32_1 = arith.constant 0 : i32
    return %c0_i32, %c0_i32_0 : i32, i32
  }
  func.func @transform_4(%arg0: i32) -> (i32, i32) {
    %c0_i32 = arith.constant 0 : i32
    %c0_i32_0 = arith.constant 0 : i32
    %c0_i32_1 = arith.constant 0 : i32
    return %c0_i32, %c0_i32_0 : i32, i32
  }
  func.func @transform_5(%arg0: i32) -> (i32, i32) {
    %c0_i32 = arith.constant 0 : i32
    %c0_i32_0 = arith.constant 0 : i32
    %c0_i32_1 = arith.constant 0 : i32
    return %c0_i32, %c0_i32_0 : i32, i32
  }
  func.func @transform_6(%arg0: i32) -> (i32, i32) {
    %c0_i32 = arith.constant 0 : i32
    %c0_i32_0 = arith.constant 0 : i32
    %c0_i32_1 = arith.constant 0 : i32
    return %c0_i32, %c0_i32_0 : i32, i32
  }
}

</mosaic_0001>

<sc_bundles>
// kernel: kernel.4.cloned.1.call-start
scs
__scs_entry_jumppad:
0x0: {  	(pc) =	sbr.rel $0x88, $3  }
0x1: {  	(tag) =	ssettag $0x0;
	lr =	simm.s32 $0x1  }
0x2: {  	[smem:$0x3F9C] =	sst lr;
	_ =	strace $0xD0000000  }
0x3: {  	_ = 	snop  }
0x4: {  	_ = 	snop  }
0x5: {  	_ = 	snop  }
0x6: {  	_ = 	snop  }
0x7: {  	_ = 	snop  }
__scs_overlays_trampoline_lowered:
0x8: {  	[smem:$0x3FAB] =	sst s0  }
0x9: {  	[smem:$0x3FAC] =	sst s1  }
0xa: {  	[smem:$0x3FAD] =	sst s2  }
0xb: {  	[smem:$0x3FAE] =	sst s3  }
0xc: {  	[smem:$0x3FAF] =	sst s4  }
0xd: {  	[smem:$0x3FB0] =	sst s5  }
0xe: {  	[smem:$0x3FB1] =	sst s6  }
0xf: {  	[smem:$0x3FB2] =	sst s7  }
0x10: {  	[smem:$0x3FB3] =	sst s8  }
0x11: {  	[smem:$0x3FB4] =	sst s9;
	s0 =	simm.s32 @!p0 $0x0  }
0x12: {  	s1 =	sld [smem:$0x3F9A];
	s0 =	simm.s32 @p0 $0x1  }
0x13: {  	[smem:$0x3FB5] =	sst s0;
	s0 =	simm.s32 @!p1 $0x0  }
0x14: {  	s2 =	sld [smem:$0x3F99];
	s0 =	simm.s32 @p1 $0x1  }
0x15: {  	[smem:$0x3FB6] =	sst s0;
	s0 =	simm.s32 @!p2 $0x0  }
0x16: {  	s3 =	sld [smem:$0x3FDB];
	s0 =	simm.s32 @p2 $0x1  }
0x17: {  	s4 =	simm.s32 $0x1BF5;
	[smem:$0x3FB8] =	sst s0  }
0x18: {  	s0 =	sld [smem:$0x3F9B];
	_ =	swait.ge [sflag:s4], $0x0  }
0x19: {  	s7 =	sld [smem:$0x3F9C]  }
0x1a: {  	s8 =	sadd.s32 $0xFFFFE003, lr  }
0x1b: {  	s9 =	sadd.s32 $0xFFFFFEF7, lr;
	s5 =	simm.s32 $0xFFFFFFFF;
	p2 =	slt.u32 s8, $0xFFFFF086  }
0x1c: {  	p1 =	slt.u32 s9, $0xF7A;
	s5 =	simm.s32 @!p2 $0x0  }
0x1d: {  	s5 =	simm.s32 @p1 $0x1;
	p0 =	seq.s32 s7, s2  }
0x1e: {  	s7 =	smul.u32 @!p0 $0xF7A, s2;
	p2 =	seq.s32 @!p0 s5, $0x0  }
0x1f: {  	s9 =	smul.u32 $0xF7A, s1;
	s8 =	simm.s32 @!p0 $0x1BF5;
	p2 =	por !p2, p0  }
0x20: {  	[sflag:s8] =	ssyncset.s32 @!p0 $0xFFFFF086;
	s6 =	sadd.s32 @!p0 s3, s7;
	s7 =	simm.s32 @!p0 $0x108  }
0x21: {  	s3 =	sadd.s32 s3, s9;
	s6 =	sadd.s32 @!p0 $0x88, s6;
	s7 =	simm.s32 @p2 $0x1082  }
0x22: {  	[simem:s7], [sflag:s8] =	dma.local @!p0 [hbm:s6], $0xF7A  }
0x23: {  	s9 =	sor.u32 $0xD0000000, s2;
	s6 =	simm.s32 $0x108;
	_ =	swait.ge @!p0 [sflag:s8], $0x0  }
0x24: {  	s3 =	sadd.s32 $0x88, s3;
	s6 =	simm.s32 @!p1 $0x1082;
	[sflag:s4] =	ssyncset.s32 $0xFFFFF086  }
0x25: {  	[simem:s6], [sflag:s4] =	dma.local [hbm:s3], $0xF7A  }
0x26: {  	[smem:$0x3F9C] =	sst s1;
	(tag) =	ssettag s2;
	_ =	strace s9  }
0x27: {  	s1 =	sld [smem:$0x3FAC]  }
0x28: {  	s2 =	sld [smem:$0x3FAD]  }
0x29: {  	s4 =	sld [smem:$0x3FAF]  }
0x2a: {  	p0 =	seq.s32 s5, $0x0;
	s5 =	sld [smem:$0x3FB0]  }
0x2b: {  	s6 =	sld [smem:$0x3FB1]  }
0x2c: {  	s7 =	sld [smem:$0x3FB2]  }
0x2d: {  	s3 =	simm.s32 $0x108;
	s8 =	sld [smem:$0x3FB3]  }
0x2e: {  	s3 =	simm.s32 @!p0 $0x1082;
	s9 =	sld [smem:$0x3FB4]  }
0x2f: {  	lr =	sadd.s32 s0, s3;
	s0 =	sld [smem:$0x3FAB]  }
0x30: {  	s3 =	sld [smem:$0x3FAE]  }
0x31: {  	[smem:$0x3FB7] =	sst s10  }
0x32: {  	s10 =	sld [smem:$0x3FB5];
	_ =	sdelay $0x3  }
0x33: {  	p0 =	seq.s32 s10, $0x1;
	s10 =	sld [smem:$0x3FB7];
	_ =	sdelay $0x3  }
0x34: {  	[smem:$0x3FB7] =	sst s10  }
0x35: {  	s10 =	sld [smem:$0x3FB6];
	_ =	sdelay $0x3  }
0x36: {  	p1 =	seq.s32 s10, $0x1;
	s10 =	sld [smem:$0x3FB7];
	_ =	sdelay $0x3  }
0x37: {  	[smem:$0x3FB7] =	sst s10  }
0x38: {  	s10 =	sld [smem:$0x3FB8]  }
0x39: {  	_ = 	snop;
	(pc) =	sbr.ind lr, $3  }
0x3a: {  	_ = 	snop  }
0x3b: {  	_ = 	snop  }
0x3c: {  	p2 =	seq.s32 s10, $0x1;
	s10 =	sld [smem:$0x3FB7]  }
0x3d: {  	_ =	shalt  }
0x3e: {  	_ =	shalt  }
0x3f: {  	_ =	shalt  }
0x40: {  	_ =	shalt  }
0x41: {  	_ =	shalt  }
0x42: {  	_ =	shalt  }
0x43: {  	_ =	shalt  }
0x44: {  	_ =	shalt  }
0x45: {  	_ =	shalt  }
0x46: {  	_ =	shalt  }
0x47: {  	_ =	shalt  }
0x48: {  	_ =	shalt  }
0x49: {  	_ =	shalt  }
0x4a: {  	_ =	shalt  }
0x4b: {  	_ =	shalt  }
0x4c: {  	_ =	shalt  }
0x4d: {  	_ =	shalt  }
0x4e: {  	_ =	shalt  }
0x4f: {  	_ =	shalt  }
0x50: {  	_ =	shalt  }
0x51: {  	_ =	shalt  }
0x52: {  	_ =	shalt  }
0x53: {  	_ =	shalt  }
0x54: {  	_ =	shalt  }
0x55: {  	_ =	shalt  }
0x56: {  	_ =	shalt  }
0x57: {  	_ =	shalt  }
0x58: {  	_ =	shalt  }
0x59: {  	_ =	shalt  }
0x5a: {  	_ =	shalt  }
0x5b: {  	_ =	shalt  }
0x5c: {  	_ =	shalt  }
0x5d: {  	_ =	shalt  }
0x5e: {  	_ =	shalt  }
0x5f: {  	_ =	shalt  }
0x60: {  	_ =	shalt  }
0x61: {  	_ =	shalt  }
0x62: {  	_ =	shalt  }
0x63: {  	_ =	shalt  }
0x64: {  	_ =	shalt  }
0x65: {  	_ =	shalt  }
0x66: {  	_ =	shalt  }
0x67: {  	_ =	shalt  }
0x68: {  	_ =	shalt  }
0x69: {  	_ =	shalt  }
0x6a: {  	_ =	shalt  }
0x6b: {  	_ =	shalt  }
0x6c: {  	_ =	shalt  }
0x6d: {  	_ =	shalt  }
0x6e: {  	_ =	shalt  }
0x6f: {  	_ =	shalt  }
0x70: {  	_ =	shalt  }
0x71: {  	_ =	shalt  }
0x72: {  	_ =	shalt  }
0x73: {  	_ =	shalt  }
0x74: {  	_ =	shalt  }
0x75: {  	_ =	shalt  }
0x76: {  	_ =	shalt  }
0x77: {  	_ =	shalt  }
0x78: {  	_ =	shalt  }
0x79: {  	_ =	shalt  }
0x7a: {  	_ =	shalt  }
0x7b: {  	_ =	shalt  }
0x7c: {  	_ =	shalt  }
0x7d: {  	_ =	shalt  }
0x7e: {  	_ =	shalt  }
0x7f: {  	_ =	shalt  }
0x80: {  	_ =	shalt  }
0x81: {  	_ =	shalt  }
0x82: {  	_ =	shalt  }
0x83: {  	_ =	shalt  }
0x84: {  	_ =	shalt  }
0x85: {  	_ =	shalt  }
0x86: {  	_ =	shalt  }
0x87: {  	_ =	shalt  }
.Lfunc_end0:
.L_simem_size_0:
called_computation_lowered:
.L_overlay_start_0:
0x88: {  	s2 =	sld [smem:$0x3FD9]  }
0x89: {  	s3 =	sld [smem:$0x3FFE];
	_ =	sdelay $0x1  }
0x8a: {  	s1 =	srdreg.scid  }
0x8b: {  	s0 =	sand.u32 $0x1, s1  }
0x8c: {  	s16 =	sshll.u32 s0, $0xA;
	s2 =	sadd.s32 s3, s2  }
0x8d: {  	s2 =	sadd.s32 s2, s16  }
0x8e: {  	[smem:$0x3FC3] =	sst s2  }
0x8f: {  	_ = 	snop  }
0x90: {  	(tm) =	ssettm $0x1  }
0x91: {  	s17 =	sld [smem:$0x3FFB];
	_ =	sdelay $0x3  }
0x92: {  	_ =	strace s17  }
0x93: {  	s2 =	sld [smem:$0x3FFC];
	_ =	sdelay $0x3  }
0x94: {  	_ =	strace s2  }
0x95: {  	s2 =	sld [smem:$0x3FFD];
	_ =	sdelay $0x3  }
0x96: {  	_ =	strace s2  }
0x97: {  	_ =	strace $0x8FFFFFFF  }
0x98: {  	s18 =	sld [smem:$0x3FDB];
	_ =	sdelay $0x1  }
0x99: {  	s19 =	simm.s32 $_scs_section_size  }
0x9a: {  	s4 =	simm.s32 $_size__tile_overlayer_lowered;
	s5 =	simm.s32 $_tile_overlayer_lowered  }
0x9b: {  	s22 =	simm.s32 $0x1BFF;
	s21 =	sshll.u32 s5, $0x1;
	s2 =	sadd.s32 s19, s18  }
0x9c: {  	s6 =	simm.s32 $0x0;
	s20 =	sshll.u32 s4, $0x1;
	s4 =	sadd.s32 s21, s2  }
0x9d: {  	[timem:s6], [sflag:s22] =	dma.local [hbm:s4], s20  }
0x9e: {  	_ =	swait.ge [sflag:s22], s20  }
0x9f: {  	s3 =	ssub.s32 $0x0, s20;
	[sflag:s22] =	ssyncset.done $0x0  }
0xa0: {  	[sflag:s22] =	ssyncadd.s32 s3;
	_ =	sdelay $0x1  }
0xa1: {  	s23 =	simm.s32 $0x1B8B  }
0xa2: {  	_ =	swait.ge [sflag:s23], $0x1  }
0xa3: {  	[sflag:s23] =	ssyncset.done $0x0  }
0xa4: {  	s25 =	simm.s32 $0x1B8E;
	s24 =	sld [smem:$0x3FFE];
	[sflag:s23] =	ssyncadd.s32 $0xFFFFFFFF  }
0xa5: {  	s26 =	simm.s32 $execute0_lowered;
	[smem:$0x3FD2] =	sst s25  }
0xa6: {  	s4 =	sshll.u32 s26, $0x1;
	_ =	strace $0x80000046;
	[dreg:$0x1] =	wrdreg $0xFFFFFFFF  }
0xa7: {  	s28 =	simm.s32 $_size_execute0_lowered;
	s2 =	sadd.s32 s2, s4;
	[dreg:$0x0] =	wrdreg $0x0  }
0xa8: {  	s4 =	sshll.u32 s28, $0x1;
	[dreg:$0x2] =	wrdreg s2  }
0xa9: {  	[dreg:$0x3] =	wrdreg s4  }
0xaa: {  	[dreg:$0x4] =	wrdreg $0xC0  }
0xab: {  	_ =	task [dreg:s6], $0x5FFFF  }
0xac: {  	[dreg:$0x1] =	wrdreg $0xFFFFFFFF  }
0xad: {  	[dreg:$0x0] =	wrdreg $0x60  }
0xae: {  	[dreg:$0x2] =	wrdreg s24  }
0xaf: {  	[dreg:$0x3] =	wrdreg $0x9  }
0xb0: {  	_ =	task.clear_ibuf [dreg:s6], $0x4FFFF;
	_ =	strace $0x90000046  }
0xb1: {  	s29 =	simm.s32 $0x9;
	_ =	strace $0x80000048  }
0xb2: {  	_ =	swait.ge [sflag:s29], $0x1  }
0xb3: {  	[sflag:s29] =	ssyncadd.s32 $0xFFFFFFFF  }
0xb4: {  	_ =	strace $0x90000048  }
0xb5: {  	_ =	sfence  }
0xb6: {  	s30 =	sld [smem:$0x0];
	_ =	sdelay $0x2  }
0xb7: {  	s31 =	sshll.u32 s1, $0xD;
	s1 =	sshrl.u32 s1, $0x2  }
0xb8: {  	s3 =	sand.u32 $0x4000, s31;
	s1 =	sadd.s32 s1, s30  }
0xb9: {  	s0 =	sor.u32 s3, s0;
	s1 =	sshll.u32 s1, $0x11  }
0xba: {  	s0 =	sor.u32 s1, s0  }
0xbb: {  	s0 =	sadd.s32 $0x8F2B, s0  }
0xbc: {  	[sflag:s0] =	ssyncadd.remote.s32 $0x1  }
0xbd: {  	_ =	sfence.sel $0xFFFF  }
0xbe: {  	[dreg:$0x0] =	wrdreg $0xFFFFFFFF;
	(pc) =	sbr.abs _section_cstart, $3  }
0xbf: {  	[dreg:$0x1] =	wrdreg $0xFFFFFFFF  }
0xc0: {  	_ =	task.clear_ibuf [dreg:s6], $0x2FFFF;
	_ =	strace $0x9FFFFFFF  }
0xc1: {  	(tm) =	ssettm $0x7FFFFFFF  }
tec
execute0_lowered:
.L_overlay_start_1:
0x0: {  	(tag) =	ssettag $0x1  }
0x1: {  	s1 =	srdreg.scid;
	s0 =	stileid.u32  }
0x2: {  	s6 =	rddreg [dreg:$0x0];
	s2 =	simm.s32 $0x0;
	s18 =	simm.s32 $0x8A00  }
0x3: {  	s9 =	sand.u32 $0x1, s1;
	s30 =	sshll.u32 s0, $0x1;
	s31 =	smul.u32 $0x280, s0  }
0x4: {  	s19 =	simm.s32 $0x8C80;
	s5 =	sor.u32 s9, s30;
	s17 =	smul.u32 $0x140, s9  }
0x5: {  	s20 =	simm.s32 $0xA080;
	s21 =	simm.s32 $0xAC80;
	s7 =	smul.u32 $0xF0, s5  }
0x6: {  	s22 =	simm.s32 $0xB080;
	[smem:$0x7FF] =	sst s2;
	s8 =	smul.u32 $0x12, s5  }
0x7: {  	v0 =	vimm.f32 $3.000000000e+00;
	s1 =	rddreg [dreg:$0x1];
	_ =	strace $0x80000047;
	s10 =	smul.u32 $0x48, s5  }
0x8: {  	s23 =	simm.s32 $0x0;
	s3 =	sadd.s32 $0x2800, s6;
	s11 =	smul.u32 $0x280, s5;
	(erf) = vrcp.f32 v0  }
0x9: {  	s4 =	sadd.s32 $0x3C00, s6;
	s13 =	ssub.s32 $0x2, s9;
	s12 =	smul.u32 $0x180, s5  }
0xa: {  	s14 =	sshll.u32 s5, $0x7;
	s5 =	sshll.u32 s5, $0x8;
	s15 =	sshrl.u32 s13, $0x1  }
0xb: {  	s14 =	sadd.s32 s14, s6;
	s16 =	sadd.s32 s5, s6;
	s13 =	ssub.s32 s13, s15  }
0xc: {  	s15 =	simm.s32 $0x7580;
	s7 =	sadd.s32 s7, s6;
	s8 =	sadd.s32 s8, s6  }
0xd: {  	s10 =	sadd.s32 s10, s6;
	s11 =	sadd.s32 s11, s6;
	s12 =	sadd.s32 s12, s6  }
0xe: {  	v0 =	vlaneseq.u32;
	s5 =	sadd.s32 $0xA00, s7;
	s6 =	sadd.s32 $0x3800, s8;
	s7 =	sadd.s32 $0x3E00, s10  }
0xf: {  	v1 =	vmul.u32 $0x3, v0;
	s8 =	sadd.s32 $0xA800, s11;
	s9 =	sadd.s32 $0x7800, s12;
	s10 =	sadd.s32 $0x6800, s14  }
0x10: {  	s11 =	sadd.s32 $0x4800, s16;
	s12 =	smax.u32 s13, $0x1;
	s13 =	sadd.s32 s17, s31  }
0x11: {  	v5 =	vimm.f32 $1.000000000e+00;
	s14 =	simm.s32 $0x1;
	s16 =	simm.s32 $0x8180;
	s17 =	simm.s32 $0x8900;
	v3 =	vadd.s32 $0x1, v1;
	v4 =	vadd.s32 $0x2, v1;
	v2 =	vpop (erf)  }
.LBB2_1:
0x12: {  	[tilespmem:s2], [sflag:$0x1] =	stream.linear.gather [hbm4b:s3+s2], $0x7580, $0x38;
	[tilespmem:$0xB880] =	vst v63  }
0x13: {  	_ =	swait.ge [sflag:s14], $0x7580  }
0x14: {  	[sflag:s14] =	ssyncset.done $0x0  }
0x15: {  	[sflag:s14] =	ssyncadd.s32 $0xFFFF8A80  }
0x16: {  	[tilespmem:s15], [sflag:$0x1] =	stream.linear.gather [hbm4b:s4+s2], $0xC00, $0x38;
	[tilespmem:$0xB880] =	vst v63  }
0x17: {  	_ =	swait.ge [sflag:s14], $0xC00  }
0x18: {  	[sflag:s14] =	ssyncset.done $0x0  }
0x19: {  	[sflag:s14] =	ssyncadd.s32 $0xFFFFF400  }
0x1a: {  	[tilespmem:s16], [sflag:$0x1] =	stream.linear.gather [hbm4b:s5+s2], $0x780, $0x38;
	[tilespmem:$0xB880] =	vst v63  }
0x1b: {  	_ =	swait.ge [sflag:s14], $0x780  }
0x1c: {  	v6 =	vmov s2;
	[sflag:s14] =	ssyncset.done $0x0  }
0x1d: {  	v6 =	vmul.u32 $0x3, v6;
	[sflag:s14] =	ssyncadd.s32 $0xFFFFF880  }
0x1e: {  	[tilespmem:s17], [sflag:$0x1] =	stream.linear.gather [hbm4b:s6+s2], $0x90, $0x38;
	[tilespmem:$0xB880] =	vst v63  }
0x1f: {  	v6 =	vbroadcast v6, $0x0;
	_ =	swait.ge [sflag:s14], $0x90  }
0x20: {  	[sflag:s14] =	ssyncset.done $0x0  }
0x21: {  	v7 =	vadd.s32 v4, v6;
	[sflag:s14] =	ssyncadd.s32 $0xFFFFFF70  }
0x22: {  	v8 =	vadd.s32 v1, v6;
	[tilespmem:s18], [sflag:$0x1] =	stream.linear.gather [hbm4b:s7+s2], $0x240, $0x38;
	[tilespmem:$0xB880] =	vst v63  }
0x23: {  	v6 =	vadd.s32 v3, v6;
	_ =	swait.ge [sflag:s14], $0x240  }
0x24: {  	[sflag:s14] =	ssyncset.done $0x0  }
0x25: {  	[sflag:s14] =	ssyncadd.s32 $0xFFFFFDC0  }
0x26: {  	v7 =	vld.idx.msk [tilespmem:v7+s16+$0x0], $0xffff  }
0x27: {  	v8 =	vld.idx.msk [tilespmem:v8+s16+$0x0], $0xffff  }
0x28: {  	v6 =	vld.idx.msk [tilespmem:v6+s16+$0x0], $0xffff;
	_ =	sdelay $0x2  }
0x29: {  	v7 =	vmul.u32 $0x3, v7  }
0x2a: {  	v8 =	vmul.u32 $0x3, v8  }
0x2b: {  	v6 =	vmul.u32 $0x3, v6;
	_ =	sdelay $0x1  }
0x2c: {  	v9 =	vadd.s32 $0x2, v8  }
0x2d: {  	v10 =	vadd.s32 $0x1, v8  }
0x2e: {  	v12 =	vadd.s32 $0x1, v6;
	v11 =	vld.idx.msk [tilespmem:v7+s2+$0x0], $0xffff  }
0x2f: {  	v13 =	vadd.s32 $0x2, v6;
	v8 =	vld.idx.msk [tilespmem:v8+s2+$0x0], $0xffff  }
0x30: {  	v14 =	vadd.s32 $0x1, v7;
	v6 =	vld.idx.msk [tilespmem:v6+s2+$0x0], $0xffff  }
0x31: {  	v7 =	vadd.s32 $0x2, v7;
	v9 =	vld.idx.msk [tilespmem:v9+s2+$0x0], $0xffff  }
0x32: {  	v10 =	vld.idx.msk [tilespmem:v10+s2+$0x0], $0xffff  }
0x33: {  	v12 =	vld.idx.msk [tilespmem:v12+s2+$0x0], $0xffff  }
0x34: {  	v13 =	vld.idx.msk [tilespmem:v13+s2+$0x0], $0xffff  }
0x35: {  	v14 =	vld.idx.msk [tilespmem:v14+s2+$0x0], $0xffff  }
0x36: {  	v7 =	vld.idx.msk [tilespmem:v7+s2+$0x0], $0xffff;
	_ =	sdelay $0x1  }
0x37: {  	v6 =	vadd.f32 v6, v8;
	v8 =	vadd.f32 v12, v10  }
0x38: {  	s25 =	simm.s32 $0x10;
	v9 =	vadd.f32 v13, v9  }
0x39: {  	v10 =	vmov s25;
	v6 =	vadd.f32 v11, v6;
	v8 =	vadd.f32 v14, v8  }
0x3a: {  	s24 =	sand.u32 $0x70, s2;
	s26 =	sand.u32 $0x1C00, s2;
	v7 =	vadd.f32 v7, v9;
	v9 =	vmul.u32 $0x3, v10  }
0x3b: {  	s29 =	sor.u32 s24, s26;
	v10 =	vmul.f32 v6, v2;
	v6 =	vmul.f32 v8, v2  }
0x3c: {  	[tilespmem:s29+$0x8E00] =	vst v5;
	v8 =	vmul.f32 v7, v2;
	v7 =	vbroadcast v9, $0x0  }
0x3d: {  	[tilespmem:s29+$0x8C80] =	vst v10;
	v9 =	vmul.f32 v10, v10;
	v10 =	vmul.f32 v6, v6  }
0x3e: {  	s28 =	simm.s32 $0x20;
	s26 =	simm.s32 $0x0;
	[tilespmem:s29+$0x8D80] =	vst v8  }
.LBB2_2:
0x3f: {  	p0 =	sne.s32 s28, $0x270;
	v11 =	vadd.s32 v4, v7;
	v9 =	vadd.f32 v10, v9;
	v8 =	vmul.f32 v8, v8;
	[tilespmem:s29+$0x8D00] =	vst v6  }
0x40: {  	v6 =	vadd.s32 v1, v7  }
0x41: {  	v7 =	vadd.s32 v3, v7;
	v8 =	vadd.f32 v8, v9;
	_ =	sdelay $0x1  }
0x42: {  	[tilespmem:s29+$0x8E80] =	vst v8  }
0x43: {  	v8 =	vld.idx.msk [tilespmem:v11+s16+$0x0], $0xffff  }
0x44: {  	v6 =	vld.idx.msk [tilespmem:v6+s16+$0x0], $0xffff  }
0x45: {  	v7 =	vld.idx.msk [tilespmem:v7+s16+$0x0], $0xffff;
	_ =	sdelay $0x3  }
0x46: {  	v8 =	vmul.u32 $0x3, v8  }
0x47: {  	v6 =	vmul.u32 $0x3, v6  }
0x48: {  	v7 =	vmul.u32 $0x3, v7;
	_ =	sdelay $0x1  }
0x49: {  	v9 =	vadd.s32 $0x2, v6  }
0x4a: {  	s24 =	simm.s32 $0x0;
	v10 =	vadd.s32 $0x1, v6  }
0x4b: {  	v12 =	vadd.s32 $0x1, v7;
	v11 =	vld.idx.msk [tilespmem:v8+s24+$0x0], $0xffff  }
0x4c: {  	v13 =	vadd.s32 $0x2, v7;
	v6 =	vld.idx.msk [tilespmem:v6+s24+$0x0], $0xffff  }
0x4d: {  	v14 =	vadd.s32 $0x1, v8;
	v7 =	vld.idx.msk [tilespmem:v7+s24+$0x0], $0xffff  }
0x4e: {  	v8 =	vadd.s32 $0x2, v8;
	v9 =	vld.idx.msk [tilespmem:v9+s24+$0x0], $0xffff  }
0x4f: {  	v10 =	vld.idx.msk [tilespmem:v10+s24+$0x0], $0xffff  }
0x50: {  	s26 =	sadd.s32 $0x80, s26;
	v12 =	vld.idx.msk [tilespmem:v12+s24+$0x0], $0xffff  }
0x51: {  	s30 =	sand.u32 $0x1C00, s26;
	s29 =	sand.u32 $0x70, s25;
	s25 =	smov.u32 s28;
	v13 =	vld.idx.msk [tilespmem:v13+s24+$0x0], $0xffff  }
0x52: {  	s29 =	sor.u32 s29, s30;
	v14 =	vld.idx.msk [tilespmem:v14+s24+$0x0], $0xffff  }
0x53: {  	v8 =	vld.idx.msk [tilespmem:v8+s24+$0x0], $0xffff;
	[tilespmem:s29+$0x8E00] =	vst v5;
	_ =	sdelay $0x2  }
0x54: {  	v6 =	vadd.f32 v7, v6;
	v7 =	vadd.f32 v12, v10  }
0x55: {  	v9 =	vadd.f32 v13, v9  }
0x56: {  	v6 =	vadd.f32 v11, v6;
	v10 =	vmov s28;
	v7 =	vadd.f32 v14, v7  }
.Ltmp0:
0x57: {  	v10 =	vmul.u32 $0x3, v10;
	v8 =	vadd.f32 v8, v9;
	(pc) =	sbr.rel @p0 .LBB2_2-.Ltmp0, $4  }
0x58: {  	v11 =	vmul.f32 v6, v2;
	v6 =	vmul.f32 v7, v2  }
0x59: {  	v7 =	vbroadcast v10, $0x0;
	v8 =	vmul.f32 v8, v2  }
0x5a: {  	v9 =	vmul.f32 v11, v11;
	v10 =	vmul.f32 v6, v6;
	[tilespmem:s29+$0x8C80] =	vst v11  }
0x5b: {  	s28 =	sadd.s32 $0x10, s28;
	[tilespmem:s29+$0x8D80] =	vst v8  }
0x5c: {  	v11 =	vadd.s32 v4, v7;
	v9 =	vadd.f32 v10, v9;
	v8 =	vmul.f32 v8, v8  }
0x5d: {  	v56 =	vadd.s32 v1, v7  }
0x5e: {  	v7 =	vadd.s32 v3, v7;
	v8 =	vadd.f32 v8, v9  }
0x5f: {  	[tilespmem:s29+$0x8D00] =	vst v6  }
0x60: {  	[tilespmem:s29+$0x8E80] =	vst v8  }
0x61: {  	v6 =	vld.idx.msk [tilespmem:v11+s16+$0x0], $0xffff  }
0x62: {  	v8 =	vld.idx.msk [tilespmem:v56+s16+$0x0], $0xffff  }
0x63: {  	v7 =	vld.idx.msk [tilespmem:v7+s16+$0x0], $0xffff;
	_ =	sdelay $0x2  }
0x64: {  	v6 =	vmul.u32 $0x3, v6  }
0x65: {  	v8 =	vmul.u32 $0x3, v8  }
0x66: {  	v7 =	vmul.u32 $0x3, v7;
	_ =	sdelay $0x1  }
0x67: {  	v57 =	vadd.s32 $0x2, v8  }
0x68: {  	v58 =	vadd.s32 $0x1, v8  }
0x69: {  	v12 =	vadd.s32 $0x1, v7;
	v59 =	vld.idx.msk [tilespmem:v6+s24+$0x0], $0xffff  }
0x6a: {  	v13 =	vadd.s32 $0x2, v7;
	v8 =	vld.idx.msk [tilespmem:v8+s24+$0x0], $0xffff  }
0x6b: {  	v14 =	vadd.s32 $0x1, v6;
	v7 =	vld.idx.msk [tilespmem:v7+s24+$0x0], $0xffff  }
0x6c: {  	v9 =	vld.idx.msk [tilespmem:v57+s24+$0x0], $0xffff  }
0x6d: {  	v6 =	vadd.s32 $0x2, v6;
	v10 =	vld.idx.msk [tilespmem:v58+s24+$0x0], $0xffff  }
0x6e: {  	v12 =	vld.idx.msk [tilespmem:v12+s24+$0x0], $0xffff  }
0x6f: {  	v13 =	vld.idx.msk [tilespmem:v13+s24+$0x0], $0xffff  }
0x70: {  	v14 =	vld.idx.msk [tilespmem:v14+s24+$0x0], $0xffff;
	_ =	sdelay $0x1  }
0x71: {  	v6 =	vld.idx.msk [tilespmem:v6+s24+$0x0], $0xffff;
	v7 =	vadd.f32 v7, v8  }
0x72: {  	v8 =	vadd.f32 v12, v10  }
0x73: {  	v7 =	vadd.f32 v59, v7  }
0x74: {  	v9 =	vadd.f32 v13, v9;
	v8 =	vadd.f32 v14, v8  }
0x75: {  	v7 =	vmul.f32 v7, v2  }
0x76: {  	v6 =	vadd.f32 v6, v9;
	v8 =	vmul.f32 v8, v2  }
0x77: {  	s26 =	sadd.s32 $0x80, s26;
	v60 =	vmul.f32 v7, v7  }
0x78: {  	s25 =	sand.u32 $0x70, s25;
	s26 =	sand.u32 $0x1C00, s26;
	v6 =	vmul.f32 v6, v2;
	v61 =	vmul.f32 v8, v8  }
0x79: {  	v62 =	vmov s24;
	p1 =	por $0x1, $0x1;
	s25 =	sor.u32 s25, s26  }
.Ltmp1:
0x7a: {  	v11 =	vmul.u32 $0x3, v62;
	[tilespmem:s25+$0x8E00] =	vst v5;
	v9 =	vadd.f32 v61, v60;
	v63 =	vmul.f32 v6, v6;
	(pc) =	sbr.rel @!p1 .LBB2_4-.Ltmp1, $4  }
0x7b: {  	[tilespmem:s25+$0x8C80] =	vst v7  }
0x7c: {  	[tilespmem:s25+$0x8D80] =	vst v6;
	v6 =	vbroadcast v11, $0x0;
	v7 =	vadd.f32 v63, v9  }
0x7d: {  	[tilespmem:s25+$0x8D00] =	vst v8  }
0x7e: {  	p0 =	por $0x0, $0x0;
	s26 =	simm.s32 $0xAD80;
	[tilespmem:s25+$0x8E80] =	vst v7;
	v7 =	vadd.s32 v4, v6;
	s25 =	simm.s32 $0x10  }
0x7f: {  	v8 =	vadd.s32 v1, v6  }
0x80: {  	v6 =	vadd.s32 v3, v6;
	_ =	sdelay $0x2  }
0x81: {  	v7 =	vld.idx.msk [tilespmem:v7+s17+$0x0], $0xffff  }
0x82: {  	v8 =	vld.idx.msk [tilespmem:v8+s17+$0x0], $0xffff  }
0x83: {  	v6 =	vld.idx.msk [tilespmem:v6+s17+$0x0], $0xffff;
	_ =	sdelay $0x2  }
0x84: {  	v7 =	vmul.u32 $0x3, v7  }
0x85: {  	v8 =	vmul.u32 $0x3, v8  }
0x86: {  	v6 =	vmul.u32 $0x3, v6;
	_ =	sdelay $0x1  }
0x87: {  	v9 =	vadd.s32 $0x2, v8  }
0x88: {  	v10 =	vadd.s32 $0x1, v8  }
0x89: {  	v11 =	vld.idx.msk [tilespmem:v7+s15+$0x0], $0xffff;
	v12 =	vadd.s32 $0x1, v6  }
0x8a: {  	v13 =	vadd.s32 $0x2, v6;
	v8 =	vld.idx.msk [tilespmem:v8+s15+$0x0], $0xffff  }
0x8b: {  	v14 =	vadd.s32 $0x1, v7;
	v6 =	vld.idx.msk [tilespmem:v6+s15+$0x0], $0xffff  }
0x8c: {  	v7 =	vadd.s32 $0x2, v7;
	v9 =	vld.idx.msk [tilespmem:v9+s15+$0x0], $0xffff  }
0x8d: {  	v10 =	vld.idx.msk [tilespmem:v10+s15+$0x0], $0xffff  }
0x8e: {  	v12 =	vld.idx.msk [tilespmem:v12+s15+$0x0], $0xffff  }
0x8f: {  	v13 =	vld.idx.msk [tilespmem:v13+s15+$0x0], $0xffff  }
0x90: {  	v14 =	vld.idx.msk [tilespmem:v14+s15+$0x0], $0xffff  }
0x91: {  	v7 =	vld.idx.msk [tilespmem:v7+s15+$0x0], $0xffff;
	_ =	sdelay $0x1  }
0x92: {  	v6 =	vadd.f32 v6, v8;
	v8 =	vadd.f32 v12, v10  }
0x93: {  	v9 =	vadd.f32 v13, v9  }
0x94: {  	p2 =	por $0x1, $0x1;
	v10 =	vmov s25;
	v6 =	vadd.f32 v11, v6;
	v8 =	vadd.f32 v14, v8  }
.Ltmp2:
0x95: {  	v10 =	vmul.u32 $0x3, v10;
	v7 =	vadd.f32 v7, v9;
	(pc) =	sbr.rel @!p2 .LBB2_6-.Ltmp2, $4  }
0x96: {  	v11 =	vmul.f32 v6, v2;
	v8 =	vmul.f32 v8, v2  }
0x97: {  	v6 =	vbroadcast v10, $0x0;
	v9 =	vmul.f32 v7, v2  }
0x98: {  	v10 =	vmul.f32 v11, v11;
	v12 =	vmul.f32 v8, v8  }
0x99: {  	s29 =	simm.s32 $0x20;
	p1 =	por $0x1, $0x1;
	s28 =	simm.s32 $0xAD80;
	[tilespmem:s26+$0x100] =	vst v5;
	v7 =	vadd.s32 v4, v6;
	v11 =	vmul.f32 $-2.000000000e+00, v11;
	v13 =	vmul.f32 $-2.000000000e+00, v9  }
.LBB2_7:
0x9a: {  	p2 =	sne.s32 s29, $0x20;
	v10 =	vadd.f32 v12, v10;
	v9 =	vmul.f32 v9, v9;
	v8 =	vmul.f32 $-2.000000000e+00, v8  }
0x9b: {  	v12 =	vadd.s32 v1, v6;
	[tilespmem:s28+$0x0] =	vst v13  }
0x9c: {  	v6 =	vadd.s32 v3, v6;
	v9 =	vadd.f32 v9, v10;
	[tilespmem:s28+$0xFFFFFF00] =	vst v11  }
0x9d: {  	[tilespmem:s28+$0xFFFFFF80] =	vst v8  }
0x9e: {  	[tilespmem:s28+$0x80] =	vst v9  }
0x9f: {  	v7 =	vld.idx.msk [tilespmem:v7+s17+$0x0], $0xffff  }
0xa0: {  	v8 =	vld.idx.msk [tilespmem:v12+s17+$0x0], $0xffff  }
0xa1: {  	v6 =	vld.idx.msk [tilespmem:v6+s17+$0x0], $0xffff;
	_ =	sdelay $0x3  }
0xa2: {  	v7 =	vmul.u32 $0x3, v7  }
0xa3: {  	v8 =	vmul.u32 $0x3, v8  }
0xa4: {  	v6 =	vmul.u32 $0x3, v6;
	_ =	sdelay $0x1  }
0xa5: {  	v9 =	vadd.s32 $0x2, v8  }
0xa6: {  	v10 =	vadd.s32 $0x1, v8  }
0xa7: {  	v12 =	vadd.s32 $0x1, v6;
	v11 =	vld.idx.msk [tilespmem:v7+s15+$0x0], $0xffff  }
0xa8: {  	v13 =	vadd.s32 $0x2, v6;
	v8 =	vld.idx.msk [tilespmem:v8+s15+$0x0], $0xffff  }
0xa9: {  	v14 =	vadd.s32 $0x1, v7;
	v6 =	vld.idx.msk [tilespmem:v6+s15+$0x0], $0xffff  }
0xaa: {  	v7 =	vadd.s32 $0x2, v7;
	v9 =	vld.idx.msk [tilespmem:v9+s15+$0x0], $0xffff  }
0xab: {  	v10 =	vld.idx.msk [tilespmem:v10+s15+$0x0], $0xffff  }
0xac: {  	v12 =	vld.idx.msk [tilespmem:v12+s15+$0x0], $0xffff  }
0xad: {  	v13 =	vld.idx.msk [tilespmem:v13+s15+$0x0], $0xffff  }
0xae: {  	s28 =	sadd.s32 $0x10, s28;
	v14 =	vld.idx.msk [tilespmem:v14+s15+$0x0], $0xffff  }
0xaf: {  	v7 =	vld.idx.msk [tilespmem:v7+s15+$0x0], $0xffff;
	[tilespmem:s28+$0x100] =	vst v5;
	_ =	sdelay $0x2  }
0xb0: {  	v6 =	vadd.f32 v6, v8;
	v8 =	vadd.f32 v12, v10  }
0xb1: {  	v9 =	vadd.f32 v13, v9  }
0xb2: {  	v6 =	vadd.f32 v11, v6;
	v10 =	vmov s29;
	v8 =	vadd.f32 v14, v8  }
.Ltmp3:
0xb3: {  	v10 =	vmul.u32 $0x3, v10;
	v7 =	vadd.f32 v7, v9;
	(pc) =	sbr.rel @p2 .LBB2_7-.Ltmp3, $4  }
0xb4: {  	v11 =	vmul.f32 v6, v2;
	v8 =	vmul.f32 v8, v2  }
0xb5: {  	v6 =	vbroadcast v10, $0x0;
	v9 =	vmul.f32 v7, v2  }
0xb6: {  	v10 =	vmul.f32 v11, v11;
	v12 =	vmul.f32 v8, v8  }
0xb7: {  	s29 =	sadd.s32 $0x10, s29;
	v11 =	vmul.f32 $-2.000000000e+00, v11;
	v7 =	vadd.s32 v4, v6;
	v13 =	vmul.f32 $-2.000000000e+00, v9  }
.LBB2_8:
0xb8: {  	v10 =	vadd.f32 @p1 v12, v10;
	v9 =	vmul.f32 @p1 v9, v9  }
0xb9: {  	v8 =	vmul.f32 @p1 $-2.000000000e+00, v8;
	v56 =	vadd.s32 v1, v6;
	[tilespmem:s28+$0x0] =	vst @p1 v13  }
0xba: {  	v6 =	vadd.s32 v3, v6;
	[tilespmem:s28+$0xFFFFFF00] =	vst @p1 v11;
	v9 =	vadd.f32 @p1 v9, v10  }
0xbb: {  	[tilespmem:s28+$0xFFFFFF80] =	vst @p1 v8  }
0xbc: {  	[tilespmem:s28+$0x80] =	vst @p1 v9  }
0xbd: {  	v7 =	vld.idx.msk [tilespmem:v7+s17+$0x0], $0xffff  }
0xbe: {  	v8 =	vld.idx.msk [tilespmem:v56+s17+$0x0], $0xffff  }
0xbf: {  	v6 =	vld.idx.msk [tilespmem:v6+s17+$0x0], $0xffff;
	_ =	sdelay $0x2  }
0xc0: {  	v7 =	vmul.u32 $0x3, v7  }
0xc1: {  	v8 =	vmul.u32 $0x3, v8  }
0xc2: {  	v6 =	vmul.u32 $0x3, v6;
	_ =	sdelay $0x1  }
0xc3: {  	v57 =	vadd.s32 $0x2, v8  }
0xc4: {  	v58 =	vadd.s32 $0x1, v8  }
0xc5: {  	v59 =	vadd.s32 $0x1, v6;
	v11 =	vld.idx.msk [tilespmem:v7+s15+$0x0], $0xffff  }
0xc6: {  	v60 =	vadd.s32 $0x2, v6;
	v8 =	vld.idx.msk [tilespmem:v8+s15+$0x0], $0xffff  }
0xc7: {  	v14 =	vadd.s32 $0x1, v7;
	v6 =	vld.idx.msk [tilespmem:v6+s15+$0x0], $0xffff  }
0xc8: {  	v9 =	vld.idx.msk [tilespmem:v57+s15+$0x0], $0xffff  }
0xc9: {  	v7 =	vadd.s32 $0x2, v7;
	v10 =	vld.idx.msk [tilespmem:v58+s15+$0x0], $0xffff  }
0xca: {  	v12 =	vld.idx.msk [tilespmem:v59+s15+$0x0], $0xffff  }
0xcb: {  	v13 =	vld.idx.msk [tilespmem:v60+s15+$0x0], $0xffff  }
0xcc: {  	v14 =	vld.idx.msk [tilespmem:v14+s15+$0x0], $0xffff;
	_ =	sdelay $0x1  }
0xcd: {  	v7 =	vld.idx.msk [tilespmem:v7+s15+$0x0], $0xffff;
	v6 =	vadd.f32 v6, v8  }
0xce: {  	v8 =	vadd.f32 v12, v10  }
0xcf: {  	v6 =	vadd.f32 v11, v6  }
0xd0: {  	v9 =	vadd.f32 v13, v9;
	v8 =	vadd.f32 v14, v8  }
0xd1: {  	v6 =	vmul.f32 v6, v2  }
0xd2: {  	v7 =	vadd.f32 v7, v9;
	v8 =	vmul.f32 v8, v2  }
0xd3: {  	v61 =	vmul.f32 v6, v6  }
0xd4: {  	s28 =	sadd.s32 @p1 $0x10, s28;
	v7 =	vmul.f32 v7, v2;
	v62 =	vmul.f32 v8, v8  }
0xd5: {  	s26 =	smov.u32 @p1 s28;
	p1 =	por $0x1, $0x1;
	v6 =	vmul.f32 $-2.000000000e+00, v6;
	v8 =	vmul.f32 $-2.000000000e+00, v8  }
.Ltmp4:
0xd6: {  	[tilespmem:s26+$0x100] =	vst v5;
	v63 =	vmul.f32 $-2.000000000e+00, v7;
	v9 =	vadd.f32 v62, v61;
	v7 =	vmul.f32 v7, v7;
	(pc) =	sbr.rel @!p1 .LBB2_9-.Ltmp4, $4  }
0xd7: {  	[tilespmem:s26+$0xFFFFFF00] =	vst v6  }
0xd8: {  	v6 =	vor.u32 s24, v0;
	[tilespmem:s26+$0xFFFFFF80] =	vst v8;
	v7 =	vadd.f32 v7, v9  }
0xd9: {  	v8 =	vshrl.u32 v6, $0x2;
	[tilespmem:s26+$0x0] =	vst v63  }
0xda: {  	[tilespmem:s26+$0x80] =	vst v7;
	v7 =	vmul.u32 $0x3, v8  }
0xdb: {  	_ = 	snop  }
0xdc: {  	v8 =	vadd.s32 $0x1, v7;
	_ =	sdelay $0x2  }
0xdd: {  	v9 =	vadd.s32 $0x2, v7  }
0xde: {  	v7 =	vld.idx.msk [tilespmem:v7+s17+$0x0], $0xffff  }
0xdf: {  	v8 =	vld.idx.msk [tilespmem:v8+s17+$0x0], $0xffff  }
0xe0: {  	v6 =	vmul.u32 $0x3, v6;
	_ =	sdelay $0x1  }
0xe1: {  	v10 =	vadd.s32 $0x2, v6;
	v9 =	vld.idx.msk [tilespmem:v9+s17+$0x0], $0xffff  }
0xe2: {  	v11 =	vadd.s32 $0x1, v6;
	v7 =	vmul.u32 $0x3, v7  }
0xe3: {  	v8 =	vmul.u32 $0x3, v8;
	_ =	sdelay $0x1  }
0xe4: {  	v6 =	vld.idx.msk [tilespmem:v6+s18+$0x0], $0xffff;
	v13 =	vadd.s32 $0x1, v7  }
0xe5: {  	v10 =	vld.idx.msk [tilespmem:v10+s18+$0x0], $0xffff;
	v15 =	vadd.s32 $0x2, v7;
	v9 =	vmul.u32 $0x3, v9  }
0xe6: {  	v11 =	vld.idx.msk [tilespmem:v11+s18+$0x0], $0xffff;
	v12 =	vadd.s32 $0x1, v8  }
0xe7: {  	v7 =	vld.idx.msk [tilespmem:v7+s15+$0x0], $0xffff;
	v14 =	vadd.s32 $0x1, v9  }
0xe8: {  	v16 =	vld.idx.msk [tilespmem:v8+s15+$0x0], $0xffff;
	v8 =	vadd.s32 $0x2, v8  }
0xe9: {  	v13 =	vld.idx.msk [tilespmem:v13+s15+$0x0], $0xffff  }
0xea: {  	v17 =	vadd.s32 $0x2, v9;
	v15 =	vld.idx.msk [tilespmem:v15+s15+$0x0], $0xffff  }
0xeb: {  	v12 =	vld.idx.msk [tilespmem:v12+s15+$0x0], $0xffff  }
0xec: {  	v14 =	vld.idx.msk [tilespmem:v14+s15+$0x0], $0xffff  }
0xed: {  	v8 =	vld.idx.msk [tilespmem:v8+s15+$0x0], $0xffff  }
0xee: {  	v9 =	vld.idx.msk [tilespmem:v9+s15+$0x0], $0xffff  }
0xef: {  	v7 =	vmul.f32 v7, v6;
	v17 =	vld.idx.msk [tilespmem:v17+s15+$0x0], $0xffff  }
0xf0: {  	v13 =	vmul.f32 v13, v6;
	v12 =	vmul.f32 v12, v11  }
0xf1: {  	v6 =	vmul.f32 v15, v6;
	v16 =	vmul.f32 v16, v11  }
0xf2: {  	v14 =	vmul.f32 v14, v10;
	v12 =	vadd.f32 v12, v13;
	v8 =	vmul.f32 v8, v11  }
0xf3: {  	p1 =	por $0x1, $0x1;
	v9 =	vmul.f32 v9, v10;
	v7 =	vadd.f32 v16, v7  }
.Ltmp5:
0xf4: {  	v10 =	vmul.f32 v17, v10;
	v11 =	vadd.f32 v14, v12;
	v12 =	vadd.f32 v8, v6;
	(pc) =	sbr.rel @!p1 .LBB2_11-.Ltmp5, $4  }
0xf5: {  	s26 =	sand.u32 $0x70, s24;
	s28 =	sand.u32 $0x400, s24;
	v8 =	vadd.f32 v9, v7  }
0xf6: {  	s29 =	sor.u32 s26, s28;
	v6 =	vor.u32 s25, v0;
	v13 =	vmul.f32 $-2.000000000e+00, v11;
	v12 =	vadd.f32 v10, v12  }
0xf7: {  	[tilespmem:s29+$0xB280] =	vst v5;
	v7 =	vshrl.u32 v6, $0x2;
	v9 =	vmul.f32 v8, v8;
	v10 =	vmul.f32 v11, v11  }
0xf8: {  	p0 =	por $0x1, $0x1;
	s28 =	simm.s32 $0x20;
	s26 =	simm.s32 $0x0;
	v7 =	vmul.u32 $0x3, v7;
	[tilespmem:s29+$0xB100] =	vst v13;
	v11 =	vmul.f32 v12, v12;
	v12 =	vmul.f32 $-2.000000000e+00, v12  }
.LBB2_12:
0xf9: {  	p1 =	sne.s32 s28, $0xB0  }
0xfa: {  	v13 =	vadd.s32 $0x1, v7;
	v9 =	vadd.f32 v10, v9;
	v8 =	vmul.f32 $-2.000000000e+00, v8;
	s26 =	sadd.s32 $0x80, s26;
	s30 =	smov.u32 s28;
	s28 =	sadd.s32 $0x10, s28  }
0xfb: {  	[tilespmem:s29+$0xB180] =	vst v12  }
0xfc: {  	v10 =	vadd.s32 $0x2, v7;
	v9 =	vadd.f32 v11, v9;
	[tilespmem:s29+$0xB080] =	vst v8;
	_ =	sdelay $0x1  }
0xfd: {  	[tilespmem:s29+$0xB200] =	vst v9  }
0xfe: {  	v8 =	vld.idx.msk [tilespmem:v13+s17+$0x0], $0xffff;
	_ =	sdelay $0x1  }
0xff: {  	v6 =	vmul.u32 $0x3, v6;
	v7 =	vld.idx.msk [tilespmem:v7+s17+$0x0], $0xffff  }
0x100: {  	v9 =	vld.idx.msk [tilespmem:v10+s17+$0x0], $0xffff  }
0x101: {  	v10 =	vadd.s32 $0x2, v6  }
0x102: {  	v11 =	vadd.s32 $0x1, v6  }
0x103: {  	v8 =	vmul.u32 $0x3, v8;
	_ =	sdelay $0x1  }
0x104: {  	v7 =	vmul.u32 $0x3, v7;
	v12 =	vadd.s32 $0x1, v8;
	v13 =	vadd.s32 $0x2, v8  }
0x105: {  	v9 =	vmul.u32 $0x3, v9;
	v10 =	vld.idx.msk [tilespmem:v10+s18+$0x0], $0xffff  }
0x106: {  	v14 =	vadd.s32 $0x1, v7;
	v15 =	vadd.s32 $0x2, v7;
	v11 =	vld.idx.msk [tilespmem:v11+s18+$0x0], $0xffff  }
0x107: {  	v16 =	vadd.s32 $0x1, v9;
	v17 =	vadd.s32 $0x2, v9;
	v6 =	vld.idx.msk [tilespmem:v6+s18+$0x0], $0xffff  }
0x108: {  	v8 =	vld.idx.msk [tilespmem:v8+s15+$0x0], $0xffff  }
0x109: {  	v12 =	vld.idx.msk [tilespmem:v12+s15+$0x0], $0xffff  }
0x10a: {  	v7 =	vld.idx.msk [tilespmem:v7+s15+$0x0], $0xffff  }
0x10b: {  	v14 =	vld.idx.msk [tilespmem:v14+s15+$0x0], $0xffff  }
0x10c: {  	v16 =	vld.idx.msk [tilespmem:v16+s15+$0x0], $0xffff  }
0x10d: {  	v15 =	vld.idx.msk [tilespmem:v15+s15+$0x0], $0xffff  }
0x10e: {  	v13 =	vld.idx.msk [tilespmem:v13+s15+$0x0], $0xffff  }
0x10f: {  	s31 =	sand.u32 $0x400, s26;
	s29 =	sand.u32 $0x70, s25;
	s25 =	smov.u32 s30;
	v9 =	vld.idx.msk [tilespmem:v9+s15+$0x0], $0xffff  }
0x110: {  	s29 =	sor.u32 s29, s31;
	v7 =	vmul.f32 v7, v6;
	v17 =	vld.idx.msk [tilespmem:v17+s15+$0x0], $0xffff  }
0x111: {  	v12 =	vmul.f32 v12, v11;
	v14 =	vmul.f32 v14, v6;
	[tilespmem:s29+$0xB280] =	vst v5;
	_ =	sdelay $0x1  }
0x112: {  	v8 =	vmul.f32 v8, v11;
	v12 =	vadd.f32 v12, v14;
	v14 =	vmul.f32 v16, v10  }
0x113: {  	v6 =	vmul.f32 v15, v6;
	v11 =	vmul.f32 v13, v11  }
0x114: {  	v7 =	vadd.f32 v8, v7;
	v8 =	vmul.f32 v9, v10;
	v12 =	vadd.f32 v14, v12  }
.Ltmp6:
0x115: {  	v9 =	vadd.f32 v11, v6;
	v10 =	vmul.f32 v17, v10;
	(pc) =	sbr.rel @p1 .LBB2_12-.Ltmp6, $4  }
0x116: {  	v6 =	vor.u32 s25, v0;
	v8 =	vadd.f32 v8, v7;
	v11 =	vmul.f32 $-2.000000000e+00, v12  }
0x117: {  	v7 =	vshrl.u32 v6, $0x2;
	v13 =	vadd.f32 v10, v9  }
0x118: {  	v7 =	vmul.u32 $0x3, v7;
	v10 =	vmul.f32 v12, v12;
	v9 =	vmul.f32 v8, v8;
	[tilespmem:s29+$0xB100] =	vst v11  }
0x119: {  	v11 =	vmul.f32 v13, v13;
	v12 =	vmul.f32 $-2.000000000e+00, v13  }
.LBB2_13:
0x11a: {  	v13 =	vadd.s32 $0x1, v7;
	v9 =	vadd.f32 @p0 v10, v9  }
0x11b: {  	v8 =	vmul.f32 @p0 $-2.000000000e+00, v8  }
0x11c: {  	v10 =	vadd.s32 $0x2, v7;
	[tilespmem:s29+$0xB180] =	vst @p0 v12;
	v9 =	vadd.f32 @p0 v11, v9  }
0x11d: {  	[tilespmem:s29+$0xB080] =	vst @p0 v8  }
0x11e: {  	[tilespmem:s29+$0xB200] =	vst @p0 v9  }
0x11f: {  	v8 =	vld.idx.msk [tilespmem:v13+s17+$0x0], $0xffff  }
0x120: {  	v7 =	vld.idx.msk [tilespmem:v7+s17+$0x0], $0xffff  }
0x121: {  	v6 =	vmul.u32 $0x3, v6;
	v9 =	vld.idx.msk [tilespmem:v10+s17+$0x0], $0xffff;
	_ =	sdelay $0x1  }
0x122: {  	v11 =	vadd.s32 $0x1, v6  }
0x123: {  	v10 =	vadd.s32 $0x2, v6;
	v8 =	vmul.u32 $0x3, v8  }
0x124: {  	v7 =	vmul.u32 $0x3, v7  }
0x125: {  	v9 =	vmul.u32 $0x3, v9  }
0x126: {  	v6 =	vld.idx.msk [tilespmem:v6+s18+$0x0], $0xffff  }
0x127: {  	v11 =	vld.idx.msk [tilespmem:v11+s18+$0x0], $0xffff;
	v61 =	vadd.s32 $0x1, v8  }
0x128: {  	v10 =	vld.idx.msk [tilespmem:v10+s18+$0x0], $0xffff;
	v62 =	vadd.s32 $0x1, v7  }
0x129: {  	v14 =	vadd.s32 $0x1, v9;
	v16 =	vld.idx.msk [tilespmem:v8+s15+$0x0], $0xffff  }
0x12a: {  	v15 =	vadd.s32 $0x2, v7;
	v7 =	vld.idx.msk [tilespmem:v7+s15+$0x0], $0xffff  }
0x12b: {  	v17 =	vadd.s32 $0x2, v9;
	v8 =	vadd.s32 $0x2, v8;
	v9 =	vld.idx.msk [tilespmem:v9+s15+$0x0], $0xffff  }
0x12c: {  	v12 =	vld.idx.msk [tilespmem:v61+s15+$0x0], $0xffff  }
0x12d: {  	v13 =	vld.idx.msk [tilespmem:v62+s15+$0x0], $0xffff  }
0x12e: {  	v14 =	vld.idx.msk [tilespmem:v14+s15+$0x0], $0xffff  }
0x12f: {  	v15 =	vld.idx.msk [tilespmem:v15+s15+$0x0], $0xffff  }
0x130: {  	v8 =	vld.idx.msk [tilespmem:v8+s15+$0x0], $0xffff;
	v7 =	vmul.f32 v7, v6;
	v16 =	vmul.f32 v16, v11  }
0x131: {  	v9 =	vmul.f32 v9, v10  }
0x132: {  	v17 =	vld.idx.msk [tilespmem:v17+s15+$0x0], $0xffff;
	v13 =	vmul.f32 v13, v6;
	v12 =	vmul.f32 v12, v11;
	v7 =	vadd.f32 v16, v7;
	_ =	sdelay $0x1  }
0x133: {  	s28 =	sadd.s32 $0x0, s13;
	v6 =	vmul.f32 v15, v6;
	v12 =	vadd.f32 v12, v13;
	v7 =	vadd.f32 v9, v7  }
0x134: {  	v9 =	vor.u32 s28, v0;
	v8 =	vmul.f32 v8, v11;
	v11 =	vmul.f32 v14, v10  }
0x135: {  	vm0 =	vlt.s32 v9, $0x270F  }
0x136: {  	s26 =	sadd.s32 @p0 $0x80, s26;
	v6 =	vadd.f32 v8, v6;
	v8 =	vmul.f32 v17, v10;
	v10 =	vadd.f32 v11, v12  }
0x137: {  	s24 =	smov.u32 @p0 s26;
	v9 =	vnsel vm0, $0x270F, v9  }
0x138: {  	s25 =	sand.u32 $0x70, s25;
	s24 =	sand.u32 $0x400, s24;
	v6 =	vadd.f32 v8, v6;
	v8 =	vmul.f32 v7, v7;
	v11 =	vmul.f32 v10, v10  }
0x139: {  	s24 =	sor.u32 s25, s24;
	v9 =	vmul.u32 $0x3, v9;
	v10 =	vmul.f32 $-2.000000000e+00, v10  }
0x13a: {  	[tilespmem:s24+$0xB280] =	vst v5;
	v63 =	vmul.f32 v6, v6;
	v6 =	vmul.f32 $-2.000000000e+00, v6;
	v8 =	vadd.f32 v11, v8  }
0x13b: {  	v7 =	vmul.f32 $-2.000000000e+00, v7;
	[tilespmem:s24+$0xB100] =	vst v10;
	v10 =	vadd.s32 $0x1, v9  }
0x13c: {  	[tilespmem:s24+$0xB180] =	vst v6;
	v6 =	vadd.f32 v63, v8  }
0x13d: {  	[tilespmem:s24+$0xB080] =	vst v7;
	v8 =	vadd.s32 $0x2, v9  }
0x13e: {  	[tilespmem:s24+$0xB200] =	vst v6  }
0x13f: {  	s24 =	simm.s32 $0x0;
	v6 =	vld.idx.msk [tilespmem:v9+s2+$0x0], $0xffff  }
0x140: {  	v7 =	vld.idx.msk [tilespmem:v10+s2+$0x0], $0xffff;
	s30 =	sand.u32 $0x70, s24;
	s31 =	sand.u32 $0xC00, s24  }
0x141: {  	s26 =	sor.u32 s30, s31  }
0x142: {  	s25 =	simm.s32 $0x10;
	s29 =	sadd.s32 $0x10, s13;
	s28 =	simm.s32 $0x20;
	v8 =	vld.idx.msk [tilespmem:v8+s2+$0x0], $0xffff;
	[tilespmem:s26+$0xA200] =	vst v5  }
.LBB2_14:
0x143: {  	p0 =	sne.s32 s28, $0x130;
	v9 =	vor.u32 s29, v0  }
0x144: {  	vm0 =	vlt.s32 v9, $0x270F;
	[tilespmem:s26+$0xA080] =	vst v6  }
0x145: {  	v6 =	vmul.f32 v6, v6;
	v10 =	vmul.f32 v7, v7;
	v9 =	vnsel vm0, $0x270F, v9;
	[tilespmem:s26+$0xA100] =	vst v7  }
0x146: {  	v7 =	vmul.u32 $0x3, v9  }
0x147: {  	v6 =	vadd.f32 v10, v6;
	v9 =	vmul.f32 v8, v8;
	[tilespmem:s26+$0xA180] =	vst v8  }
0x148: {  	v8 =	vadd.s32 $0x1, v7  }
0x149: {  	v6 =	vadd.f32 v9, v6  }
0x14a: {  	v9 =	vadd.s32 $0x2, v7  }
0x14b: {  	[tilespmem:s26+$0xA280] =	vst v6  }
.Ltmp7:
0x14c: {  	s24 =	sadd.s32 $0x80, s24;
	v6 =	vld.idx.msk [tilespmem:v7+s2+$0x0], $0xffff;
	(pc) =	sbr.rel @p0 .LBB2_14-.Ltmp7, $4  }
0x14d: {  	s29 =	sand.u32 $0xC00, s24;
	s26 =	sand.u32 $0x70, s25;
	s25 =	smov.u32 s28;
	v7 =	vld.idx.msk [tilespmem:v8+s2+$0x0], $0xffff  }
0x14e: {  	s26 =	sor.u32 s26, s29  }
0x14f: {  	v8 =	vld.idx.msk [tilespmem:v9+s2+$0x0], $0xffff;
	[tilespmem:s26+$0xA200] =	vst v5  }
0x150: {  	s28 =	sadd.s32 $0x10, s28;
	s29 =	sadd.s32 s25, s13  }
0x151: {  	v9 =	vor.u32 s29, v0  }
0x152: {  	vm0 =	vlt.s32 v9, $0x270F  }
0x153: {  	v10 =	vmul.f32 v6, v6;
	v11 =	vmul.f32 v7, v7;
	v9 =	vnsel vm0, $0x270F, v9  }
0x154: {  	v9 =	vmul.u32 $0x3, v9  }
0x155: {  	v10 =	vadd.f32 v11, v10;
	v60 =	vmul.f32 v8, v8  }
0x156: {  	[tilespmem:s26+$0xA080] =	vst v6;
	v6 =	vadd.s32 $0x1, v9  }
0x157: {  	[tilespmem:s26+$0xA100] =	vst v7;
	v7 =	vadd.f32 v60, v10  }
0x158: {  	[tilespmem:s26+$0xA180] =	vst v8;
	v61 =	vadd.s32 $0x2, v9  }
0x159: {  	[tilespmem:s26+$0xA280] =	vst v7  }
0x15a: {  	v7 =	vld.idx.msk [tilespmem:v9+s2+$0x0], $0xffff  }
0x15b: {  	v6 =	vld.idx.msk [tilespmem:v6+s2+$0x0], $0xffff;
	_ =	sdelay $0x1  }
0x15c: {  	v8 =	vld.idx.msk [tilespmem:v61+s2+$0x0], $0xffff;
	_ =	sdelay $0x1  }
0x15d: {  	s24 =	sadd.s32 $0x80, s24  }
0x15e: {  	s25 =	sand.u32 $0x70, s25;
	s24 =	sand.u32 $0xC00, s24;
	v9 =	vmul.f32 v7, v7;
	v62 =	vmul.f32 v6, v6  }
0x15f: {  	s24 =	sor.u32 s25, s24  }
0x160: {  	[tilespmem:s24+$0xA200] =	vst v5;
	v63 =	vmul.f32 v8, v8;
	v9 =	vadd.f32 v62, v9  }
0x161: {  	[tilespmem:s24+$0xA080] =	vst v7  }
0x162: {  	[tilespmem:s24+$0xA100] =	vst v6;
	v6 =	vadd.f32 v63, v9  }
0x163: {  	[tilespmem:s24+$0xA180] =	vst v8  }
0x164: {  	[tilespmem:s24+$0xA280] =	vst v6  }
0x165: {  	[hbm4b:s8+s2] =	stream.linear.scatter [tilespmem:s19], [sflag:$0x1], $0x1400, $0x38;
	[tilespmem:$0xB880] =	vst v63  }
0x166: {  	_ =	swait.ge [sflag:s14], $0x1400  }
0x167: {  	[sflag:s14] =	ssyncset.done $0x0  }
0x168: {  	[sflag:s14] =	ssyncadd.s32 $0xFFFFEC00  }
0x169: {  	[hbm4b:s9+s2] =	stream.linear.scatter [tilespmem:s20], [sflag:$0x1], $0xC00, $0x38;
	[tilespmem:$0xB880] =	vst v63  }
0x16a: {  	_ =	swait.ge [sflag:s14], $0xC00  }
0x16b: {  	[sflag:s14] =	ssyncset.done $0x0  }
0x16c: {  	[sflag:s14] =	ssyncadd.s32 $0xFFFFF400  }
0x16d: {  	[hbm4b:s10+s2] =	stream.linear.scatter [tilespmem:s21], [sflag:$0x1], $0x280, $0x38;
	[tilespmem:$0xB880] =	vst v63  }
0x16e: {  	_ =	swait.ge [sflag:s14], $0x280  }
0x16f: {  	s23 =	sadd.s32 $0x1, s23;
	[sflag:s14] =	ssyncset.done $0x0  }
0x170: {  	p0 =	sne.s32 s23, s12;
	[sflag:s14] =	ssyncadd.s32 $0xFFFFFD80  }
0x171: {  	[hbm4b:s11+s2] =	stream.linear.scatter [tilespmem:s22], [sflag:$0x1], $0x800, $0x38;
	[tilespmem:$0xB880] =	vst v63  }
.Ltmp8:
0x172: {  	_ = 	snop;
	(pc) =	sbr.rel @p0 .LBB2_1-.Ltmp8, $4  }
.Ltmp9:
0x173: {  	_ = 	snop;
	(pc) =	sbr.rel @!p0 .LBB2_16-.Ltmp9, $4  }
0x174: {  	_ =	swait.ge [sflag:s14], $0x800  }
0x175: {  	[sflag:s14] =	ssyncset.done $0x0  }
0x176: {  	[sflag:s14] =	ssyncadd.s32 $0xFFFFF800  }
0x177: {  	_ = 	snop  }
.LBB2_4:
.Ltmp10:
0x178: {  	(pc) =	sbr.rel .LBB2_8-.Ltmp10, $2  }
0x179: {  	_ =	sdelay $0x2  }
0x17a: {  	s28 =	simm.s32 $0xAD80;
	p1 =	por $0x0, $0x0  }
.LBB2_9:
.Ltmp11:
0x17b: {  	(pc) =	sbr.rel .LBB2_13-.Ltmp11, $2  }
0x17c: {  	_ =	sdelay $0x2  }
0x17d: {  	s26 =	simm.s32 $0x0;
	s25 =	simm.s32 $0x0  }
.LBB2_6:
.Ltmp12:
0x17e: {  	(pc) =	sbr.rel .LBB2_8-.Ltmp12, $2  }
0x17f: {  	_ =	sdelay $0x2  }
0x180: {  	s28 =	simm.s32 $0xAD80  }
.LBB2_11:
.Ltmp13:
0x181: {  	(pc) =	sbr.rel .LBB2_13-.Ltmp13, $2  }
0x182: {  	_ =	sdelay $0x2  }
0x183: {  	s26 =	simm.s32 $0x0  }
.LBB2_16:
0x184: {  	_ =	sfence.sel $0x180000  }
0x185: {  	[bflag:$0x0] =	sbarrier.arrive $0xFFFF  }
0x186: {  	p0 =	sne.s32 s0, $0x0;
	_ =	strace $0x90000047  }
0x187: {  	s0 =	sadd.s32 @!p0 $0x100000, s1;
	[bflag:$0x2] =	sbarrier.arrive $0xFFFF  }
0x188: {  	[sflag:s0] =	ssyncadd.tile.s32 @!p0 $0x1;
	_ =	shalt  }
.Lfunc_end2:
_tile_overlayer_lowered:
.L_overlay_start_2:
0x189: {  	(tag) =	ssettag $0x2  }
0x18a: {  	s0 =	rddreg [dreg:$0x0];
	s2 =	stileid.u32  }
0x18b: {  	s1 =	rddreg [dreg:$0x1];
	p0 =	sne.s32 s2, $0x0  }
0x18c: {  	s3 =	rddreg [dreg:$0x2];
	[bflag:$0x3] =	sbarrier.arrive $0xFFFF;
	s2 =	simm.s32 @!p0 $0x1C01  }
0x18d: {  	[timem:s3], [sflag:s2] =	dma.local @!p0 [hbm:s0], s1  }
0x18e: {  	s0 =	simm.s32 @!p0 $0x1  }
0x18f: {  	_ =	swait.ge @!p0 [sflag:s0], s1  }
0x190: {  	s1 =	ssub.s32 @!p0 $0x0, s1;
	[sflag:s0] =	ssyncset.done @!p0 $0x0  }
0x191: {  	[sflag:s0] =	ssyncadd.s32 @!p0 s1  }
0x192: {  	[bflag:$0x3] =	sbarrier.arrive $0xFFFF  }
0x193: {  	_ =	shalt  }

</sc_bundles>
